<compile_context>
chip_gen: v7x
topology: tpu7x:2x2x1
jax: 0.10.2.dev20260603
libtpu: 0.0.44.dev20260713+nightly
codegen_flags: <defaults>
</compile_context>

<pallas_src>
import functools

import jax
import jax.numpy as jnp
from jax import lax
from jax.experimental import pallas as pl
from jax.experimental.pallas import tpu as pltpu
from jax.experimental.pallas import tpu_sc as plsc

NC = 2
NS = 16
NW = NC * NS
LANES = 16
CHUNK = 128


def _zeros16():
    return jnp.zeros((LANES,), jnp.float32)


def _deg_body(dst_hbm, ew_hbm, out_hbm, deg_sh, dstbuf, ewbuf, zb):
    cid = lax.axis_index("c")
    sid = lax.axis_index("s")
    tg = cid * NS + sid
    npad = deg_sh.shape[0]
    per = npad // NS

    def zlane(i, _):
        zb[pl.ds(i * LANES, LANES)] = _zeros16()
        return 0

    lax.fori_loop(0, per // LANES, zlane, 0)
    pltpu.sync_copy(zb, deg_sh.at[pl.ds(sid * per, per)])
    pltpu.sync_copy(dst_hbm.at[tg], dstbuf)
    pltpu.sync_copy(ew_hbm.at[tg], ewbuf)
    plsc.subcore_barrier()

    def chunk(c, _):
        pltpu.sync_copy(ewbuf.at[c], deg_sh.at[dstbuf.at[c]], add=True)
        return 0

    lax.fori_loop(0, dstbuf.shape[0], chunk, 0)
    plsc.subcore_barrier()
    pltpu.sync_copy(deg_sh.at[pl.ds(sid * per, per)],
                    out_hbm.at[cid, pl.ds(sid * per, per)])


def _msg_body(x_hbm, src_hbm, dst_hbm, ew_hbm, dis_hbm, out_hbm,
              acc_sh, dis_v, srcbuf, dstbuf, ewbuf, rows_v, normbuf):
    cid = lax.axis_index("c")
    sid = lax.axis_index("s")
    tg = cid * NS + sid
    n = acc_sh.shape[0]
    rpt = n // NS
    nw = srcbuf.shape[0]
    nbs = nw // CHUNK
    nblk = dstbuf.shape[0] // nbs

    def zrow(e, _):
        for j in range(8):
            rows_v[e, pl.ds(j * LANES, LANES)] = _zeros16()
        return 0

    lax.fori_loop(0, CHUNK, zrow, 0)
    for q in range(rpt // CHUNK):
        pltpu.sync_copy(rows_v, acc_sh.at[pl.ds(sid * rpt + q * CHUNK, CHUNK)])
    pltpu.sync_copy(dis_hbm, dis_v)
    pltpu.sync_copy(dst_hbm.at[tg], dstbuf)
    plsc.subcore_barrier()

    def block(bi, _):
        pltpu.sync_copy(src_hbm.at[tg, pl.ds(bi * nw, nw)], srcbuf)
        pltpu.sync_copy(ew_hbm.at[tg, pl.ds(bi * nw, nw)], ewbuf)

        def chunk(c, _):
            cg = bi * nbs + c
            pltpu.sync_copy(x_hbm.at[srcbuf.at[pl.ds(c * CHUNK, CHUNK)]],
                            rows_v)

            def grp(g, _):
                s16 = srcbuf[pl.ds(c * CHUNK + g * LANES, LANES)]
                d16 = dstbuf[cg, pl.ds(g * LANES, LANES)]
                e16 = ewbuf[pl.ds(c * CHUNK + g * LANES, LANES)]
                nv = e16 * plsc.load_gather(dis_v, [s16]) \
                         * plsc.load_gather(dis_v, [d16])
                normbuf[pl.ds(g * LANES, LANES)] = nv
                return 0

            lax.fori_loop(0, CHUNK // LANES, grp, 0)

            def edge(e, _):
                nb = plsc.load_gather(
                    normbuf, [jnp.full((LANES, ), e, jnp.int32)])
                for j in range(8):
                    rows_v[e, pl.ds(j * LANES, LANES)] = (
                        rows_v[e, pl.ds(j * LANES, LANES)] * nb)
                return 0

            lax.fori_loop(0, CHUNK, edge, 0)
            pltpu.sync_copy(rows_v, acc_sh.at[dstbuf.at[cg]], add=True)
            return 0

        lax.fori_loop(0, nbs, chunk, 0)
        return 0

    lax.fori_loop(0, nblk, block, 0)
    plsc.subcore_barrier()
    for q in range(rpt // CHUNK):
        r0 = sid * rpt + q * CHUNK
        pltpu.sync_copy(acc_sh.at[pl.ds(r0, CHUNK)],
                        out_hbm.at[cid, pl.ds(r0, CHUNK)])


def _dis_body(degp_ref, dis_ref):
    d = degp_ref[0] + degp_ref[1]
    dis_ref[...] = jnp.where(d > 0, lax.rsqrt(jnp.where(d > 0, d, 1.0)), 0.0)


def _out_body(m_ref, w_ref, b_ref, o_ref):
    a = m_ref[0] + m_ref[1]
    o_ref[...] = jnp.maximum(
        jnp.dot(a, w_ref[...], preferred_element_type=jnp.float32)
        + b_ref[...], 0.0)


def kernel(x, edge_index, edge_weight, W, b):
    x = x.astype(jnp.float32)
    N, D = x.shape
    E = edge_index.shape[1]
    src = edge_index[0].astype(jnp.int32)
    dst = edge_index[1].astype(jnp.int32)
    ew = edge_weight.astype(jnp.float32)

    loop_idx = jnp.arange(N, dtype=jnp.int32)
    e_all = E + N
    step = 3 * CHUNK
    ept = -(-(-(-e_all // NW)) // step) * step
    padn = ept * NW - e_all
    nch = ept // CHUNK

    src_all = jnp.concatenate([src, loop_idx, jnp.zeros((padn,), jnp.int32)])
    dst_all = jnp.concatenate([dst, loop_idx, jnp.zeros((padn,), jnp.int32)])
    ew_all = jnp.concatenate(
        [ew, jnp.ones((N,), jnp.float32), jnp.zeros((padn,), jnp.float32)])
    src_f = src_all.reshape(NW, ept)
    ew_f = ew_all.reshape(NW, ept)
    dst_a = dst_all.reshape(NW, nch, CHUNK)
    ew_a = ew_all.reshape(NW, nch, CHUNK)

    npad = -(-N // 256) * 256

    mesh = plsc.VectorSubcoreMesh(core_axis_name="c", subcore_axis_name="s",
                                  num_cores=NC, num_subcores=NS)

    deg_call = pl.kernel(
        _deg_body,
        out_type=jax.ShapeDtypeStruct((NC, npad), jnp.float32),
        mesh=mesh,
        scratch_types=[
            pltpu.VMEM_SHARED((npad,), jnp.float32),
            pltpu.VMEM((nch, CHUNK), jnp.int32),
            pltpu.VMEM((nch, CHUNK), jnp.float32),
            pltpu.VMEM((npad // NS,), jnp.float32),
        ],
    )
    degp = deg_call(dst_a, ew_a)

    dis = pl.pallas_call(
        _dis_body,
        out_shape=jax.ShapeDtypeStruct((npad // 128, 128), jnp.float32),
    )(degp.reshape(NC, npad // 128, 128)).reshape(npad)

    nw = (nch // 3) * CHUNK
    msg_call = pl.kernel(
        _msg_body,
        out_type=jax.ShapeDtypeStruct((NC, npad, D), jnp.float32),
        mesh=mesh,
        scratch_types=[
            pltpu.VMEM_SHARED((npad, D), jnp.float32),
            pltpu.VMEM((npad,), jnp.float32),
            pltpu.VMEM((nw,), jnp.int32),
            pltpu.VMEM((nch, CHUNK), jnp.int32),
            pltpu.VMEM((nw,), jnp.float32),
            pltpu.VMEM((CHUNK, D), jnp.float32),
            pltpu.VMEM((CHUNK,), jnp.float32),
        ],
        compiler_params=pltpu.CompilerParams(needs_layout_passes=False),
    )
    M = msg_call(x, src_f, dst_a, ew_f, dis)

    BM = 1000
    out = pl.pallas_call(
        _out_body,
        grid=(N // BM,),
        in_specs=[
            pl.BlockSpec((NC, BM, D), lambda i: (0, i, 0)),
            pl.BlockSpec((D, D), lambda i: (0, 0)),
            pl.BlockSpec((1, D), lambda i: (0, 0)),
        ],
        out_specs=pl.BlockSpec((BM, D), lambda i: (i, 0)),
        out_shape=jax.ShapeDtypeStruct((N, D), jnp.float32),
    )(M, W, b.reshape(1, D))
    return out

# --- scband reference (transcript-rebuilt; emitter-appended) ---
"""Pipeline reference for scband-directional-graph-convolution-46789373723027 (READ-ONLY COPY).

The authoritative reference and input builder live on the scoring server;
editing this copy changes nothing except your own understanding.
"""

import jax, jax.numpy as jnp
import numpy as np

N_NODES = 10000
N_EDGES = 320000
D_IN = 128
D_OUT = 128


def setup_inputs(seed: int = 0) -> dict:
    key = jax.random.key(seed)
    k1, k2, k3, k4, k5 = jax.random.split(key, 5)
    x = jax.random.normal(k1, (N_NODES, D_IN), dtype=jnp.float32)
    edge_index = jax.random.randint(k2, (2, N_EDGES), 0, N_NODES, dtype=jnp.int64)
    edge_weight = jax.random.uniform(k3, (N_EDGES,), dtype=jnp.float32)
    # GCNConv parameters (glorot weight, zero bias per PyG defaults)
    limit = float(np.sqrt(6.0 / (D_IN + D_OUT)))
    W = jax.random.uniform(k4, (D_IN, D_OUT), dtype=jnp.float32, minval=-limit, maxval=limit)
    b = jnp.zeros((D_OUT,), dtype=jnp.float32)
    return {"x": x, "edge_index": edge_index, "edge_weight": edge_weight, "W": W, "b": b}


def reference(x, edge_index, edge_weight, W, b):
    # DirectionalGraphConvolution.forward: x -> float32, GCNConv(x, edge_index, edge_weight), ReLU
    x = x.astype(jnp.float32)
    N = x.shape[0]
    src = edge_index[0]
    dst = edge_index[1]
    # gcn_norm with add_self_loops=True (fill_value = 1.0)
    loop_idx = jnp.arange(N, dtype=edge_index.dtype)
    src_f = jnp.concatenate([src, loop_idx])
    dst_f = jnp.concatenate([dst, loop_idx])
    ew_f = jnp.concatenate([edge_weight, jnp.ones((N,), dtype=edge_weight.dtype)])
    deg = jax.ops.segment_sum(ew_f, dst_f, num_segments=N)
    deg_inv_sqrt = jnp.where(deg > 0, jax.lax.rsqrt(jnp.where(deg > 0, deg, 1.0)), 0.0)
    norm = deg_inv_sqrt[src_f] * ew_f * deg_inv_sqrt[dst_f]
    # linear transform then propagate (source -> target scatter-add)
    h = x @ W
    msg = h[src_f] * norm[:, None]
    out = jax.ops.segment_sum(msg, dst_f, num_segments=N) + b
    return jax.nn.relu(out)

if __name__ == "__main__":
    import jax
    _d = setup_inputs()
    print(jax.jit(kernel)(*tuple(_d.values())))

</pallas_src>

<mosaic_0001>
#map = affine_map<(d0, d1) -> (0, 0, 0)>
#map1 = affine_map<(d0, d1) -> (0, 0)>
module attributes {stable_mosaic.version = 14 : i64} {
  func.func @_deg_body(%arg0: i32, %arg1: i32, %arg2: memref<32x81x128xi32, #tpu.memory_space<hbm>>, %arg3: memref<32x81x128xf32, #tpu.memory_space<hbm>>, %arg4: memref<2x10240xf32, #tpu.memory_space<hbm>>, %arg5: memref<10240xf32, #tpu.memory_space<vmem_shared>>, %arg6: memref<81x128xi32, #tpu.memory_space<vmem>>, %arg7: memref<81x128xf32, #tpu.memory_space<vmem>>, %arg8: memref<640xf32, #tpu.memory_space<vmem>>) attributes {dimension_semantics = [#tpu.dimension_semantics<core_parallel>, #tpu.dimension_semantics<subcore_parallel>], iteration_bounds = array<i64: 2, 16>, scalar_prefetch = 0 : i64, scratch_operands = 4 : i64, tpu.core_type = #tpu.core_type<sc_vector_subcore>, window_params = [{transform_indices = #map}, {transform_indices = #map}, {transform_indices = #map1}]} {
    %mul3A = arith.constant 16 : i32
    %mul3A_0 = arith.muli %arg0, %mul3A : i32
    %add3A = arith.addi %mul3A_0, %arg1 : i32
    %scan3A = arith.constant 0 : i32
    %scan3A_1 = arith.constant 0 : i32
    %scan3A_2 = arith.constant 40 : i32
    %scan3A_3 = arith.addi %scan3A_1, %scan3A_2 : i32
    %scan3A_4 = arith.constant 1 : i32
    %scan3A_5 = scf.for %scan3A_21 = %scan3A_1 to %scan3A_3 step %scan3A_4 iter_args(%scan3A_22 = %scan3A) -> (i32)  : i32 {
      %broadcast_in_dim3A = arith.constant 0.000000e+00 : f32
      %broadcast_in_dim3A_23 = vector.broadcast %broadcast_in_dim3A : f32 to vector<16xf32>
      %mul3A_24 = arith.constant 16 : i32
      %mul3A_25 = arith.muli %scan3A_21, %mul3A_24 : i32
      %swap3A = arith.index_cast %mul3A_25 : i32 to index
      %swap3A_26 = tpu.vector_load %arg8[%swap3A] {strides = array<i32>} : memref<640xf32, #tpu.memory_space<vmem>>, vector<16xf32>,
      %swap3A_27 = vector.shape_cast %swap3A_26 : vector<16xf32> to vector<16xf32>
      %swap3A_28 = vector.shape_cast %broadcast_in_dim3A_23 : vector<16xf32> to vector<16xf32>
      tpu.vector_store %arg8[%swap3A], %swap3A_28 {strides = array<i32>} : memref<640xf32, #tpu.memory_space<vmem>>, vector<16xf32>,
      %scan3A_29 = arith.constant 0 : i32
      scf.yield %scan3A_29 : i32
    }
    %scan3A_6 = arith.constant 40 : i32
    %mul3A_7 = arith.constant 640 : i32
    %mul3A_8 = arith.muli %arg1, %mul3A_7 : i32
    "tpu.region"() ({
      %run_scoped3A = tpu.sem_alloc : memref<!tpu.dma_semaphore, #tpu.memory_space<semaphore_mem>>
      %dma_start3A = tpu.memref_slice %arg5[%mul3A_8] : memref<10240xf32, #tpu.memory_space<vmem_shared>> -> memref<640xf32, #tpu.memory_space<vmem_shared>>
      %dma_start3A_21 = tpu.memref_slice %arg5[%mul3A_8] : memref<10240xf32, #tpu.memory_space<vmem_shared>> -> memref<640xf32, #tpu.memory_space<vmem_shared>>
      tpu.enqueue_dma source(%arg8 : memref<640xf32, #tpu.memory_space<vmem>>) target(%dma_start3A_21 : memref<640xf32, #tpu.memory_space<vmem_shared>>) target_semaphore(%run_scoped3A : memref<!tpu.dma_semaphore, #tpu.memory_space<semaphore_mem>>)
      %dma_wait3A = tpu.memref_slice %arg5[%mul3A_8] : memref<10240xf32, #tpu.memory_space<vmem_shared>> -> memref<640xf32, #tpu.memory_space<vmem_shared>>
      %dma_wait3A_22 = tpu.memref_slice %arg5[%mul3A_8] : memref<10240xf32, #tpu.memory_space<vmem_shared>> -> memref<640xf32, #tpu.memory_space<vmem_shared>>
      tpu.wait_dma2 semaphore(%run_scoped3A : memref<!tpu.dma_semaphore, #tpu.memory_space<semaphore_mem>>) src(%arg8 : memref<640xf32, #tpu.memory_space<vmem>>) dst(%dma_wait3A_22 : memref<640xf32, #tpu.memory_space<vmem_shared>>)
      tpu.yield
    }) : () -> ()
    "tpu.region"() ({
      %run_scoped3A = tpu.sem_alloc : memref<!tpu.dma_semaphore, #tpu.memory_space<semaphore_mem>>
      %dma_start3A = arith.constant 0 : i32
      %dma_start3A_21 = arith.constant 0 : i32
      %dma_start3A_22 = tpu.memref_slice %arg2[%add3A, %dma_start3A, %dma_start3A_21] : memref<32x81x128xi32, #tpu.memory_space<hbm>> -> memref<1x81x128xi32, #tpu.memory_space<hbm>>
      %dma_start3A_23 = tpu.memref_squeeze %dma_start3A_22 : memref<1x81x128xi32, #tpu.memory_space<hbm>> -> memref<81x128xi32, #tpu.memory_space<hbm>>
      %dma_start3A_24 = arith.constant 0 : i32
      %dma_start3A_25 = arith.constant 0 : i32
      %dma_start3A_26 = tpu.memref_slice %arg2[%add3A, %dma_start3A_24, %dma_start3A_25] : memref<32x81x128xi32, #tpu.memory_space<hbm>> -> memref<1x81x128xi32, #tpu.memory_space<hbm>>
      %dma_start3A_27 = tpu.memref_squeeze %dma_start3A_26 : memref<1x81x128xi32, #tpu.memory_space<hbm>> -> memref<81x128xi32, #tpu.memory_space<hbm>>
      tpu.enqueue_dma source(%dma_start3A_27 : memref<81x128xi32, #tpu.memory_space<hbm>>) target(%arg6 : memref<81x128xi32, #tpu.memory_space<vmem>>) target_semaphore(%run_scoped3A : memref<!tpu.dma_semaphore, #tpu.memory_space<semaphore_mem>>)
      %dma_wait3A = arith.constant 0 : i32
      %dma_wait3A_28 = arith.constant 0 : i32
      %dma_wait3A_29 = tpu.memref_slice %arg2[%add3A, %dma_wait3A, %dma_wait3A_28] : memref<32x81x128xi32, #tpu.memory_space<hbm>> -> memref<1x81x128xi32, #tpu.memory_space<hbm>>
      %dma_wait3A_30 = tpu.memref_squeeze %dma_wait3A_29 : memref<1x81x128xi32, #tpu.memory_space<hbm>> -> memref<81x128xi32, #tpu.memory_space<hbm>>
      %dma_wait3A_31 = arith.constant 0 : i32
      %dma_wait3A_32 = arith.constant 0 : i32
      %dma_wait3A_33 = tpu.memref_slice %arg2[%add3A, %dma_wait3A_31, %dma_wait3A_32] : memref<32x81x128xi32, #tpu.memory_space<hbm>> -> memref<1x81x128xi32, #tpu.memory_space<hbm>>
      %dma_wait3A_34 = tpu.memref_squeeze %dma_wait3A_33 : memref<1x81x128xi32, #tpu.memory_space<hbm>> -> memref<81x128xi32, #tpu.memory_space<hbm>>
      tpu.wait_dma2 semaphore(%run_scoped3A : memref<!tpu.dma_semaphore, #tpu.memory_space<semaphore_mem>>) src(%dma_wait3A_34 : memref<81x128xi32, #tpu.memory_space<hbm>>) dst(%arg6 : memref<81x128xi32, #tpu.memory_space<vmem>>)
      tpu.yield
    }) : () -> ()
    "tpu.region"() ({
      %run_scoped3A = tpu.sem_alloc : memref<!tpu.dma_semaphore, #tpu.memory_space<semaphore_mem>>
      %dma_start3A = arith.constant 0 : i32
      %dma_start3A_21 = arith.constant 0 : i32
      %dma_start3A_22 = tpu.memref_slice %arg3[%add3A, %dma_start3A, %dma_start3A_21] : memref<32x81x128xf32, #tpu.memory_space<hbm>> -> memref<1x81x128xf32, #tpu.memory_space<hbm>>
      %dma_start3A_23 = tpu.memref_squeeze %dma_start3A_22 : memref<1x81x128xf32, #tpu.memory_space<hbm>> -> memref<81x128xf32, #tpu.memory_space<hbm>>
      %dma_start3A_24 = arith.constant 0 : i32
      %dma_start3A_25 = arith.constant 0 : i32
      %dma_start3A_26 = tpu.memref_slice %arg3[%add3A, %dma_start3A_24, %dma_start3A_25] : memref<32x81x128xf32, #tpu.memory_space<hbm>> -> memref<1x81x128xf32, #tpu.memory_space<hbm>>
      %dma_start3A_27 = tpu.memref_squeeze %dma_start3A_26 : memref<1x81x128xf32, #tpu.memory_space<hbm>> -> memref<81x128xf32, #tpu.memory_space<hbm>>
      tpu.enqueue_dma source(%dma_start3A_27 : memref<81x128xf32, #tpu.memory_space<hbm>>) target(%arg7 : memref<81x128xf32, #tpu.memory_space<vmem>>) target_semaphore(%run_scoped3A : memref<!tpu.dma_semaphore, #tpu.memory_space<semaphore_mem>>)
      %dma_wait3A = arith.constant 0 : i32
      %dma_wait3A_28 = arith.constant 0 : i32
      %dma_wait3A_29 = tpu.memref_slice %arg3[%add3A, %dma_wait3A, %dma_wait3A_28] : memref<32x81x128xf32, #tpu.memory_space<hbm>> -> memref<1x81x128xf32, #tpu.memory_space<hbm>>
      %dma_wait3A_30 = tpu.memref_squeeze %dma_wait3A_29 : memref<1x81x128xf32, #tpu.memory_space<hbm>> -> memref<81x128xf32, #tpu.memory_space<hbm>>
      %dma_wait3A_31 = arith.constant 0 : i32
      %dma_wait3A_32 = arith.constant 0 : i32
      %dma_wait3A_33 = tpu.memref_slice %arg3[%add3A, %dma_wait3A_31, %dma_wait3A_32] : memref<32x81x128xf32, #tpu.memory_space<hbm>> -> memref<1x81x128xf32, #tpu.memory_space<hbm>>
      %dma_wait3A_34 = tpu.memref_squeeze %dma_wait3A_33 : memref<1x81x128xf32, #tpu.memory_space<hbm>> -> memref<81x128xf32, #tpu.memory_space<hbm>>
      tpu.wait_dma2 semaphore(%run_scoped3A : memref<!tpu.dma_semaphore, #tpu.memory_space<semaphore_mem>>) src(%dma_wait3A_34 : memref<81x128xf32, #tpu.memory_space<hbm>>) dst(%arg7 : memref<81x128xf32, #tpu.memory_space<vmem>>)
      tpu.yield
    }) : () -> ()
    %barrier3A = arith.constant 0 : index
    tpu.barrier barrier_id(%barrier3A)
    %scan3A_9 = arith.constant 0 : i32
    %scan3A_10 = arith.constant 0 : i32
    %scan3A_11 = arith.constant 81 : i32
    %scan3A_12 = arith.addi %scan3A_10, %scan3A_11 : i32
    %scan3A_13 = arith.constant 1 : i32
    %scan3A_14 = scf.for %scan3A_21 = %scan3A_10 to %scan3A_12 step %scan3A_13 iter_args(%scan3A_22 = %scan3A_9) -> (i32)  : i32 {
      "tpu.region"() ({
        %run_scoped3A = tpu.sem_alloc : memref<!tpu.dma_semaphore, #tpu.memory_space<semaphore_mem>>
        %dma_start3A = arith.constant 0 : i32
        %dma_start3A_24 = tpu.memref_slice %arg7[%scan3A_21, %dma_start3A] : memref<81x128xf32, #tpu.memory_space<vmem>> -> memref<1x128xf32, #tpu.memory_space<vmem>>
        %dma_start3A_25 = tpu.memref_squeeze %dma_start3A_24 : memref<1x128xf32, #tpu.memory_space<vmem>> -> memref<128xf32, #tpu.memory_space<vmem>>
        %dma_start3A_26 = arith.constant 0 : i32
        %dma_start3A_27 = tpu.memref_slice %arg6[%scan3A_21, %dma_start3A_26] : memref<81x128xi32, #tpu.memory_space<vmem>> -> memref<1x128xi32, #tpu.memory_space<vmem>>
        %dma_start3A_28 = tpu.memref_squeeze %dma_start3A_27 : memref<1x128xi32, #tpu.memory_space<vmem>> -> memref<128xi32, #tpu.memory_space<vmem>>
        %dma_start3A_29 = arith.constant 0 : i32
        %dma_start3A_30 = tpu.memref_slice %arg5[%dma_start3A_29] : memref<10240xf32, #tpu.memory_space<vmem_shared>> -> memref<10240xf32, #tpu.memory_space<vmem_shared>>
        tpu.enqueue_indirect_dma source(%dma_start3A_25 : memref<128xf32, #tpu.memory_space<vmem>>) target(%dma_start3A_30 : memref<10240xf32, #tpu.memory_space<vmem_shared>>) offsets(%dma_start3A_28 : memref<128xi32, #tpu.memory_space<vmem>>) semaphore(%run_scoped3A : memref<!tpu.dma_semaphore, #tpu.memory_space<semaphore_mem>>) {add = true}
        %dma_wait3A = arith.constant 0 : i32
        %dma_wait3A_31 = tpu.memref_slice %arg7[%scan3A_21, %dma_wait3A] : memref<81x128xf32, #tpu.memory_space<vmem>> -> memref<1x128xf32, #tpu.memory_space<vmem>>
        %dma_wait3A_32 = tpu.memref_squeeze %dma_wait3A_31 : memref<1x128xf32, #tpu.memory_space<vmem>> -> memref<128xf32, #tpu.memory_space<vmem>>
        %dma_wait3A_33 = arith.constant 0 : i32
        %dma_wait3A_34 = tpu.memref_slice %arg6[%scan3A_21, %dma_wait3A_33] : memref<81x128xi32, #tpu.memory_space<vmem>> -> memref<1x128xi32, #tpu.memory_space<vmem>>
        %dma_wait3A_35 = tpu.memref_squeeze %dma_wait3A_34 : memref<1x128xi32, #tpu.memory_space<vmem>> -> memref<128xi32, #tpu.memory_space<vmem>>
        %dma_wait3A_36 = arith.constant 0 : i32
        %dma_wait3A_37 = tpu.memref_slice %arg5[%dma_wait3A_36] : memref<10240xf32, #tpu.memory_space<vmem_shared>> -> memref<10240xf32, #tpu.memory_space<vmem_shared>>
        tpu.wait_indirect_dma semaphore(%run_scoped3A : memref<!tpu.dma_semaphore, #tpu.memory_space<semaphore_mem>>) src(%dma_wait3A_32 : memref<128xf32, #tpu.memory_space<vmem>>) dst(%dma_wait3A_37 : memref<10240xf32, #tpu.memory_space<vmem_shared>>)
        tpu.yield
      }) : () -> ()
      %scan3A_23 = arith.constant 0 : i32
      scf.yield %scan3A_23 : i32
    }
    %scan3A_15 = arith.constant 81 : i32
    %barrier3A_16 = arith.constant 0 : index
    tpu.barrier barrier_id(%barrier3A_16)
    %mul3A_17 = arith.constant 640 : i32
    %mul3A_18 = arith.muli %arg1, %mul3A_17 : i32
    %mul3A_19 = arith.constant 640 : i32
    %mul3A_20 = arith.muli %arg1, %mul3A_19 : i32
    "tpu.region"() ({
      %run_scoped3A = tpu.sem_alloc : memref<!tpu.dma_semaphore, #tpu.memory_space<semaphore_mem>>
      %dma_start3A = tpu.memref_slice %arg4[%arg0, %mul3A_20] : memref<2x10240xf32, #tpu.memory_space<hbm>> -> memref<1x640xf32, #tpu.memory_space<hbm>>
      %dma_start3A_21 = tpu.memref_squeeze %dma_start3A : memref<1x640xf32, #tpu.memory_space<hbm>> -> memref<640xf32, #tpu.memory_space<hbm>>
      %dma_start3A_22 = tpu.memref_slice %arg5[%mul3A_18] : memref<10240xf32, #tpu.memory_space<vmem_shared>> -> memref<640xf32, #tpu.memory_space<vmem_shared>>
      tpu.enqueue_dma source(%dma_start3A_22 : memref<640xf32, #tpu.memory_space<vmem_shared>>) target(%dma_start3A_21 : memref<640xf32, #tpu.memory_space<hbm>>) target_semaphore(%run_scoped3A : memref<!tpu.dma_semaphore, #tpu.memory_space<semaphore_mem>>)
      %dma_wait3A = tpu.memref_slice %arg4[%arg0, %mul3A_20] : memref<2x10240xf32, #tpu.memory_space<hbm>> -> memref<1x640xf32, #tpu.memory_space<hbm>>
      %dma_wait3A_23 = tpu.memref_squeeze %dma_wait3A : memref<1x640xf32, #tpu.memory_space<hbm>> -> memref<640xf32, #tpu.memory_space<hbm>>
      %dma_wait3A_24 = tpu.memref_slice %arg5[%mul3A_18] : memref<10240xf32, #tpu.memory_space<vmem_shared>> -> memref<640xf32, #tpu.memory_space<vmem_shared>>
      tpu.wait_dma2 semaphore(%run_scoped3A : memref<!tpu.dma_semaphore, #tpu.memory_space<semaphore_mem>>) src(%dma_wait3A_24 : memref<640xf32, #tpu.memory_space<vmem_shared>>) dst(%dma_wait3A_23 : memref<640xf32, #tpu.memory_space<hbm>>)
      tpu.yield
    }) : () -> ()
    return
  }
}

#map = affine_map<(d0, d1) -> (0, 0)>
#map1 = affine_map<(d0, d1) -> (0, 0, 0)>
#map2 = affine_map<(d0, d1) -> (0)>
module attributes {stable_mosaic.version = 14 : i64} {
  func.func @_msg_body(%arg0: i32, %arg1: i32, %arg2: memref<10000x128xf32, #tpu.memory_space<hbm>>, %arg3: memref<32x10368xi32, #tpu.memory_space<hbm>>, %arg4: memref<32x81x128xi32, #tpu.memory_space<hbm>>, %arg5: memref<32x10368xf32, #tpu.memory_space<hbm>>, %arg6: memref<10240xf32, #tpu.memory_space<hbm>>, %arg7: memref<2x10240x128xf32, #tpu.memory_space<hbm>>, %arg8: memref<10240x128xf32, #tpu.memory_space<vmem_shared>>, %arg9: memref<10240xf32, #tpu.memory_space<vmem>>, %arg10: memref<3456xi32, #tpu.memory_space<vmem>>, %arg11: memref<81x128xi32, #tpu.memory_space<vmem>>, %arg12: memref<3456xf32, #tpu.memory_space<vmem>>, %arg13: memref<128x128xf32, #tpu.memory_space<vmem>>, %arg14: memref<128xf32, #tpu.memory_space<vmem>>) attributes {dimension_semantics = [#tpu.dimension_semantics<core_parallel>, #tpu.dimension_semantics<subcore_parallel>], iteration_bounds = array<i64: 2, 16>, scalar_prefetch = 0 : i64, scratch_operands = 7 : i64, tpu.core_type = #tpu.core_type<sc_vector_subcore>, window_params = [{transform_indices = #map}, {transform_indices = #map}, {transform_indices = #map1}, {transform_indices = #map}, {transform_indices = #map2}, {transform_indices = #map1}]} {
    %mul3A = arith.constant 16 : i32
    %mul3A_0 = arith.muli %arg0, %mul3A : i32
    %add3A = arith.addi %mul3A_0, %arg1 : i32
    %scan3A = arith.constant 0 : i32
    %scan3A_1 = arith.constant 0 : i32
    %scan3A_2 = arith.constant 128 : i32
    %scan3A_3 = arith.addi %scan3A_1, %scan3A_2 : i32
    %scan3A_4 = arith.constant 1 : i32
    %scan3A_5 = scf.for %scan3A_55 = %scan3A_1 to %scan3A_3 step %scan3A_4 iter_args(%scan3A_56 = %scan3A) -> (i32)  : i32 {
      %broadcast_in_dim3A = arith.constant 0.000000e+00 : f32
      %broadcast_in_dim3A_57 = vector.broadcast %broadcast_in_dim3A : f32 to vector<16xf32>
      %swap3A = arith.index_cast %scan3A_55 : i32 to index
      %swap3A_58 = arith.constant 0 : index
      %swap3A_59 = tpu.vector_load %arg13[%swap3A, %swap3A_58] {strides = array<i32>} : memref<128x128xf32, #tpu.memory_space<vmem>>, vector<16xf32>,
      tpu.vector_store %arg13[%swap3A, %swap3A_58], %broadcast_in_dim3A_57 {strides = array<i32>} : memref<128x128xf32, #tpu.memory_space<vmem>>, vector<16xf32>,
      %broadcast_in_dim3A_60 = arith.constant 0.000000e+00 : f32
      %broadcast_in_dim3A_61 = vector.broadcast %broadcast_in_dim3A_60 : f32 to vector<16xf32>
      %swap3A_62 = arith.index_cast %scan3A_55 : i32 to index
      %swap3A_63 = arith.constant 16 : index
      %swap3A_64 = tpu.vector_load %arg13[%swap3A_62, %swap3A_63] {strides = array<i32>} : memref<128x128xf32, #tpu.memory_space<vmem>>, vector<16xf32>,
      tpu.vector_store %arg13[%swap3A_62, %swap3A_63], %broadcast_in_dim3A_61 {strides = array<i32>} : memref<128x128xf32, #tpu.memory_space<vmem>>, vector<16xf32>,
      %broadcast_in_dim3A_65 = arith.constant 0.000000e+00 : f32
      %broadcast_in_dim3A_66 = vector.broadcast %broadcast_in_dim3A_65 : f32 to vector<16xf32>
      %swap3A_67 = arith.index_cast %scan3A_55 : i32 to index
      %swap3A_68 = arith.constant 32 : index
      %swap3A_69 = tpu.vector_load %arg13[%swap3A_67, %swap3A_68] {strides = array<i32>} : memref<128x128xf32, #tpu.memory_space<vmem>>, vector<16xf32>,
      tpu.vector_store %arg13[%swap3A_67, %swap3A_68], %broadcast_in_dim3A_66 {strides = array<i32>} : memref<128x128xf32, #tpu.memory_space<vmem>>, vector<16xf32>,
      %broadcast_in_dim3A_70 = arith.constant 0.000000e+00 : f32
      %broadcast_in_dim3A_71 = vector.broadcast %broadcast_in_dim3A_70 : f32 to vector<16xf32>
      %swap3A_72 = arith.index_cast %scan3A_55 : i32 to index
      %swap3A_73 = arith.constant 48 : index
      %swap3A_74 = tpu.vector_load %arg13[%swap3A_72, %swap3A_73] {strides = array<i32>} : memref<128x128xf32, #tpu.memory_space<vmem>>, vector<16xf32>,
      tpu.vector_store %arg13[%swap3A_72, %swap3A_73], %broadcast_in_dim3A_71 {strides = array<i32>} : memref<128x128xf32, #tpu.memory_space<vmem>>, vector<16xf32>,
      %broadcast_in_dim3A_75 = arith.constant 0.000000e+00 : f32
      %broadcast_in_dim3A_76 = vector.broadcast %broadcast_in_dim3A_75 : f32 to vector<16xf32>
      %swap3A_77 = arith.index_cast %scan3A_55 : i32 to index
      %swap3A_78 = arith.constant 64 : index
      %swap3A_79 = tpu.vector_load %arg13[%swap3A_77, %swap3A_78] {strides = array<i32>} : memref<128x128xf32, #tpu.memory_space<vmem>>, vector<16xf32>,
      tpu.vector_store %arg13[%swap3A_77, %swap3A_78], %broadcast_in_dim3A_76 {strides = array<i32>} : memref<128x128xf32, #tpu.memory_space<vmem>>, vector<16xf32>,
      %broadcast_in_dim3A_80 = arith.constant 0.000000e+00 : f32
      %broadcast_in_dim3A_81 = vector.broadcast %broadcast_in_dim3A_80 : f32 to vector<16xf32>
      %swap3A_82 = arith.index_cast %scan3A_55 : i32 to index
      %swap3A_83 = arith.constant 80 : index
      %swap3A_84 = tpu.vector_load %arg13[%swap3A_82, %swap3A_83] {strides = array<i32>} : memref<128x128xf32, #tpu.memory_space<vmem>>, vector<16xf32>,
      tpu.vector_store %arg13[%swap3A_82, %swap3A_83], %broadcast_in_dim3A_81 {strides = array<i32>} : memref<128x128xf32, #tpu.memory_space<vmem>>, vector<16xf32>,
      %broadcast_in_dim3A_85 = arith.constant 0.000000e+00 : f32
      %broadcast_in_dim3A_86 = vector.broadcast %broadcast_in_dim3A_85 : f32 to vector<16xf32>
      %swap3A_87 = arith.index_cast %scan3A_55 : i32 to index
      %swap3A_88 = arith.constant 96 : index
      %swap3A_89 = tpu.vector_load %arg13[%swap3A_87, %swap3A_88] {strides = array<i32>} : memref<128x128xf32, #tpu.memory_space<vmem>>, vector<16xf32>,
      tpu.vector_store %arg13[%swap3A_87, %swap3A_88], %broadcast_in_dim3A_86 {strides = array<i32>} : memref<128x128xf32, #tpu.memory_space<vmem>>, vector<16xf32>,
      %broadcast_in_dim3A_90 = arith.constant 0.000000e+00 : f32
      %broadcast_in_dim3A_91 = vector.broadcast %broadcast_in_dim3A_90 : f32 to vector<16xf32>
      %swap3A_92 = arith.index_cast %scan3A_55 : i32 to index
      %swap3A_93 = arith.constant 112 : index
      %swap3A_94 = tpu.vector_load %arg13[%swap3A_92, %swap3A_93] {strides = array<i32>} : memref<128x128xf32, #tpu.memory_space<vmem>>, vector<16xf32>,
      tpu.vector_store %arg13[%swap3A_92, %swap3A_93], %broadcast_in_dim3A_91 {strides = array<i32>} : memref<128x128xf32, #tpu.memory_space<vmem>>, vector<16xf32>,
      %scan3A_95 = arith.constant 0 : i32
      scf.yield %scan3A_95 : i32
    }
    %scan3A_6 = arith.constant 128 : i32
    %mul3A_7 = arith.constant 640 : i32
    %mul3A_8 = arith.muli %arg1, %mul3A_7 : i32
    %add3A_9 = arith.constant 0 : i32
    %add3A_10 = arith.addi %mul3A_8, %add3A_9 : i32
    "tpu.region"() ({
      %run_scoped3A = tpu.sem_alloc : memref<!tpu.dma_semaphore, #tpu.memory_space<semaphore_mem>>
      %dma_start3A = arith.constant 0 : i32
      %dma_start3A_55 = tpu.memref_slice %arg8[%add3A_10, %dma_start3A] : memref<10240x128xf32, #tpu.memory_space<vmem_shared>> -> memref<128x128xf32, #tpu.memory_space<vmem_shared>>
      %dma_start3A_56 = arith.constant 0 : i32
      %dma_start3A_57 = tpu.memref_slice %arg8[%add3A_10, %dma_start3A_56] : memref<10240x128xf32, #tpu.memory_space<vmem_shared>> -> memref<128x128xf32, #tpu.memory_space<vmem_shared>>
      tpu.enqueue_dma source(%arg13 : memref<128x128xf32, #tpu.memory_space<vmem>>) target(%dma_start3A_57 : memref<128x128xf32, #tpu.memory_space<vmem_shared>>) target_semaphore(%run_scoped3A : memref<!tpu.dma_semaphore, #tpu.memory_space<semaphore_mem>>)
      %dma_wait3A = arith.constant 0 : i32
      %dma_wait3A_58 = tpu.memref_slice %arg8[%add3A_10, %dma_wait3A] : memref<10240x128xf32, #tpu.memory_space<vmem_shared>> -> memref<128x128xf32, #tpu.memory_space<vmem_shared>>
      %dma_wait3A_59 = arith.constant 0 : i32
      %dma_wait3A_60 = tpu.memref_slice %arg8[%add3A_10, %dma_wait3A_59] : memref<10240x128xf32, #tpu.memory_space<vmem_shared>> -> memref<128x128xf32, #tpu.memory_space<vmem_shared>>
      tpu.wait_dma2 semaphore(%run_scoped3A : memref<!tpu.dma_semaphore, #tpu.memory_space<semaphore_mem>>) src(%arg13 : memref<128x128xf32, #tpu.memory_space<vmem>>) dst(%dma_wait3A_60 : memref<128x128xf32, #tpu.memory_space<vmem_shared>>)
      tpu.yield
    }) : () -> ()
    %mul3A_11 = arith.constant 640 : i32
    %mul3A_12 = arith.muli %arg1, %mul3A_11 : i32
    %add3A_13 = arith.constant 128 : i32
    %add3A_14 = arith.addi %mul3A_12, %add3A_13 : i32
    "tpu.region"() ({
      %run_scoped3A = tpu.sem_alloc : memref<!tpu.dma_semaphore, #tpu.memory_space<semaphore_mem>>
      %dma_start3A = arith.constant 0 : i32
      %dma_start3A_55 = tpu.memref_slice %arg8[%add3A_14, %dma_start3A] : memref<10240x128xf32, #tpu.memory_space<vmem_shared>> -> memref<128x128xf32, #tpu.memory_space<vmem_shared>>
      %dma_start3A_56 = arith.constant 0 : i32
      %dma_start3A_57 = tpu.memref_slice %arg8[%add3A_14, %dma_start3A_56] : memref<10240x128xf32, #tpu.memory_space<vmem_shared>> -> memref<128x128xf32, #tpu.memory_space<vmem_shared>>
      tpu.enqueue_dma source(%arg13 : memref<128x128xf32, #tpu.memory_space<vmem>>) target(%dma_start3A_57 : memref<128x128xf32, #tpu.memory_space<vmem_shared>>) target_semaphore(%run_scoped3A : memref<!tpu.dma_semaphore, #tpu.memory_space<semaphore_mem>>)
      %dma_wait3A = arith.constant 0 : i32
      %dma_wait3A_58 = tpu.memref_slice %arg8[%add3A_14, %dma_wait3A] : memref<10240x128xf32, #tpu.memory_space<vmem_shared>> -> memref<128x128xf32, #tpu.memory_space<vmem_shared>>
      %dma_wait3A_59 = arith.constant 0 : i32
      %dma_wait3A_60 = tpu.memref_slice %arg8[%add3A_14, %dma_wait3A_59] : memref<10240x128xf32, #tpu.memory_space<vmem_shared>> -> memref<128x128xf32, #tpu.memory_space<vmem_shared>>
      tpu.wait_dma2 semaphore(%run_scoped3A : memref<!tpu.dma_semaphore, #tpu.memory_space<semaphore_mem>>) src(%arg13 : memref<128x128xf32, #tpu.memory_space<vmem>>) dst(%dma_wait3A_60 : memref<128x128xf32, #tpu.memory_space<vmem_shared>>)
      tpu.yield
    }) : () -> ()
    %mul3A_15 = arith.constant 640 : i32
    %mul3A_16 = arith.muli %arg1, %mul3A_15 : i32
    %add3A_17 = arith.constant 256 : i32
    %add3A_18 = arith.addi %mul3A_16, %add3A_17 : i32
    "tpu.region"() ({
      %run_scoped3A = tpu.sem_alloc : memref<!tpu.dma_semaphore, #tpu.memory_space<semaphore_mem>>
      %dma_start3A = arith.constant 0 : i32
      %dma_start3A_55 = tpu.memref_slice %arg8[%add3A_18, %dma_start3A] : memref<10240x128xf32, #tpu.memory_space<vmem_shared>> -> memref<128x128xf32, #tpu.memory_space<vmem_shared>>
      %dma_start3A_56 = arith.constant 0 : i32
      %dma_start3A_57 = tpu.memref_slice %arg8[%add3A_18, %dma_start3A_56] : memref<10240x128xf32, #tpu.memory_space<vmem_shared>> -> memref<128x128xf32, #tpu.memory_space<vmem_shared>>
      tpu.enqueue_dma source(%arg13 : memref<128x128xf32, #tpu.memory_space<vmem>>) target(%dma_start3A_57 : memref<128x128xf32, #tpu.memory_space<vmem_shared>>) target_semaphore(%run_scoped3A : memref<!tpu.dma_semaphore, #tpu.memory_space<semaphore_mem>>)
      %dma_wait3A = arith.constant 0 : i32
      %dma_wait3A_58 = tpu.memref_slice %arg8[%add3A_18, %dma_wait3A] : memref<10240x128xf32, #tpu.memory_space<vmem_shared>> -> memref<128x128xf32, #tpu.memory_space<vmem_shared>>
      %dma_wait3A_59 = arith.constant 0 : i32
      %dma_wait3A_60 = tpu.memref_slice %arg8[%add3A_18, %dma_wait3A_59] : memref<10240x128xf32, #tpu.memory_space<vmem_shared>> -> memref<128x128xf32, #tpu.memory_space<vmem_shared>>
      tpu.wait_dma2 semaphore(%run_scoped3A : memref<!tpu.dma_semaphore, #tpu.memory_space<semaphore_mem>>) src(%arg13 : memref<128x128xf32, #tpu.memory_space<vmem>>) dst(%dma_wait3A_60 : memref<128x128xf32, #tpu.memory_space<vmem_shared>>)
      tpu.yield
    }) : () -> ()
    %mul3A_19 = arith.constant 640 : i32
    %mul3A_20 = arith.muli %arg1, %mul3A_19 : i32
    %add3A_21 = arith.constant 384 : i32
    %add3A_22 = arith.addi %mul3A_20, %add3A_21 : i32
    "tpu.region"() ({
      %run_scoped3A = tpu.sem_alloc : memref<!tpu.dma_semaphore, #tpu.memory_space<semaphore_mem>>
      %dma_start3A = arith.constant 0 : i32
      %dma_start3A_55 = tpu.memref_slice %arg8[%add3A_22, %dma_start3A] : memref<10240x128xf32, #tpu.memory_space<vmem_shared>> -> memref<128x128xf32, #tpu.memory_space<vmem_shared>>
      %dma_start3A_56 = arith.constant 0 : i32
      %dma_start3A_57 = tpu.memref_slice %arg8[%add3A_22, %dma_start3A_56] : memref<10240x128xf32, #tpu.memory_space<vmem_shared>> -> memref<128x128xf32, #tpu.memory_space<vmem_shared>>
      tpu.enqueue_dma source(%arg13 : memref<128x128xf32, #tpu.memory_space<vmem>>) target(%dma_start3A_57 : memref<128x128xf32, #tpu.memory_space<vmem_shared>>) target_semaphore(%run_scoped3A : memref<!tpu.dma_semaphore, #tpu.memory_space<semaphore_mem>>)
      %dma_wait3A = arith.constant 0 : i32
      %dma_wait3A_58 = tpu.memref_slice %arg8[%add3A_22, %dma_wait3A] : memref<10240x128xf32, #tpu.memory_space<vmem_shared>> -> memref<128x128xf32, #tpu.memory_space<vmem_shared>>
      %dma_wait3A_59 = arith.constant 0 : i32
      %dma_wait3A_60 = tpu.memref_slice %arg8[%add3A_22, %dma_wait3A_59] : memref<10240x128xf32, #tpu.memory_space<vmem_shared>> -> memref<128x128xf32, #tpu.memory_space<vmem_shared>>
      tpu.wait_dma2 semaphore(%run_scoped3A : memref<!tpu.dma_semaphore, #tpu.memory_space<semaphore_mem>>) src(%arg13 : memref<128x128xf32, #tpu.memory_space<vmem>>) dst(%dma_wait3A_60 : memref<128x128xf32, #tpu.memory_space<vmem_shared>>)
      tpu.yield
    }) : () -> ()
    %mul3A_23 = arith.constant 640 : i32
    %mul3A_24 = arith.muli %arg1, %mul3A_23 : i32
    %add3A_25 = arith.constant 512 : i32
    %add3A_26 = arith.addi %mul3A_24, %add3A_25 : i32
    "tpu.region"() ({
      %run_scoped3A = tpu.sem_alloc : memref<!tpu.dma_semaphore, #tpu.memory_space<semaphore_mem>>
      %dma_start3A = arith.constant 0 : i32
      %dma_start3A_55 = tpu.memref_slice %arg8[%add3A_26, %dma_start3A] : memref<10240x128xf32, #tpu.memory_space<vmem_shared>> -> memref<128x128xf32, #tpu.memory_space<vmem_shared>>
      %dma_start3A_56 = arith.constant 0 : i32
      %dma_start3A_57 = tpu.memref_slice %arg8[%add3A_26, %dma_start3A_56] : memref<10240x128xf32, #tpu.memory_space<vmem_shared>> -> memref<128x128xf32, #tpu.memory_space<vmem_shared>>
      tpu.enqueue_dma source(%arg13 : memref<128x128xf32, #tpu.memory_space<vmem>>) target(%dma_start3A_57 : memref<128x128xf32, #tpu.memory_space<vmem_shared>>) target_semaphore(%run_scoped3A : memref<!tpu.dma_semaphore, #tpu.memory_space<semaphore_mem>>)
      %dma_wait3A = arith.constant 0 : i32
      %dma_wait3A_58 = tpu.memref_slice %arg8[%add3A_26, %dma_wait3A] : memref<10240x128xf32, #tpu.memory_space<vmem_shared>> -> memref<128x128xf32, #tpu.memory_space<vmem_shared>>
      %dma_wait3A_59 = arith.constant 0 : i32
      %dma_wait3A_60 = tpu.memref_slice %arg8[%add3A_26, %dma_wait3A_59] : memref<10240x128xf32, #tpu.memory_space<vmem_shared>> -> memref<128x128xf32, #tpu.memory_space<vmem_shared>>
      tpu.wait_dma2 semaphore(%run_scoped3A : memref<!tpu.dma_semaphore, #tpu.memory_space<semaphore_mem>>) src(%arg13 : memref<128x128xf32, #tpu.memory_space<vmem>>) dst(%dma_wait3A_60 : memref<128x128xf32, #tpu.memory_space<vmem_shared>>)
      tpu.yield
    }) : () -> ()
    "tpu.region"() ({
      %run_scoped3A = tpu.sem_alloc : memref<!tpu.dma_semaphore, #tpu.memory_space<semaphore_mem>>
      tpu.enqueue_dma source(%arg6 : memref<10240xf32, #tpu.memory_space<hbm>>) target(%arg9 : memref<10240xf32, #tpu.memory_space<vmem>>) target_semaphore(%run_scoped3A : memref<!tpu.dma_semaphore, #tpu.memory_space<semaphore_mem>>)
      tpu.wait_dma2 semaphore(%run_scoped3A : memref<!tpu.dma_semaphore, #tpu.memory_space<semaphore_mem>>) src(%arg6 : memref<10240xf32, #tpu.memory_space<hbm>>) dst(%arg9 : memref<10240xf32, #tpu.memory_space<vmem>>)
      tpu.yield
    }) : () -> ()
    "tpu.region"() ({
      %run_scoped3A = tpu.sem_alloc : memref<!tpu.dma_semaphore, #tpu.memory_space<semaphore_mem>>
      %dma_start3A = arith.constant 0 : i32
      %dma_start3A_55 = arith.constant 0 : i32
      %dma_start3A_56 = tpu.memref_slice %arg4[%add3A, %dma_start3A, %dma_start3A_55] : memref<32x81x128xi32, #tpu.memory_space<hbm>> -> memref<1x81x128xi32, #tpu.memory_space<hbm>>
      %dma_start3A_57 = tpu.memref_squeeze %dma_start3A_56 : memref<1x81x128xi32, #tpu.memory_space<hbm>> -> memref<81x128xi32, #tpu.memory_space<hbm>>
      %dma_start3A_58 = arith.constant 0 : i32
      %dma_start3A_59 = arith.constant 0 : i32
      %dma_start3A_60 = tpu.memref_slice %arg4[%add3A, %dma_start3A_58, %dma_start3A_59] : memref<32x81x128xi32, #tpu.memory_space<hbm>> -> memref<1x81x128xi32, #tpu.memory_space<hbm>>
      %dma_start3A_61 = tpu.memref_squeeze %dma_start3A_60 : memref<1x81x128xi32, #tpu.memory_space<hbm>> -> memref<81x128xi32, #tpu.memory_space<hbm>>
      tpu.enqueue_dma source(%dma_start3A_61 : memref<81x128xi32, #tpu.memory_space<hbm>>) target(%arg11 : memref<81x128xi32, #tpu.memory_space<vmem>>) target_semaphore(%run_scoped3A : memref<!tpu.dma_semaphore, #tpu.memory_space<semaphore_mem>>)
      %dma_wait3A = arith.constant 0 : i32
      %dma_wait3A_62 = arith.constant 0 : i32
      %dma_wait3A_63 = tpu.memref_slice %arg4[%add3A, %dma_wait3A, %dma_wait3A_62] : memref<32x81x128xi32, #tpu.memory_space<hbm>> -> memref<1x81x128xi32, #tpu.memory_space<hbm>>
      %dma_wait3A_64 = tpu.memref_squeeze %dma_wait3A_63 : memref<1x81x128xi32, #tpu.memory_space<hbm>> -> memref<81x128xi32, #tpu.memory_space<hbm>>
      %dma_wait3A_65 = arith.constant 0 : i32
      %dma_wait3A_66 = arith.constant 0 : i32
      %dma_wait3A_67 = tpu.memref_slice %arg4[%add3A, %dma_wait3A_65, %dma_wait3A_66] : memref<32x81x128xi32, #tpu.memory_space<hbm>> -> memref<1x81x128xi32, #tpu.memory_space<hbm>>
      %dma_wait3A_68 = tpu.memref_squeeze %dma_wait3A_67 : memref<1x81x128xi32, #tpu.memory_space<hbm>> -> memref<81x128xi32, #tpu.memory_space<hbm>>
      tpu.wait_dma2 semaphore(%run_scoped3A : memref<!tpu.dma_semaphore, #tpu.memory_space<semaphore_mem>>) src(%dma_wait3A_68 : memref<81x128xi32, #tpu.memory_space<hbm>>) dst(%arg11 : memref<81x128xi32, #tpu.memory_space<vmem>>)
      tpu.yield
    }) : () -> ()
    %barrier3A = arith.constant 0 : index
    tpu.barrier barrier_id(%barrier3A)
    %scan3A_27 = arith.constant 0 : i32
    %scan3A_28 = arith.constant 0 : i32
    %scan3A_29 = arith.constant 3 : i32
    %scan3A_30 = arith.addi %scan3A_28, %scan3A_29 : i32
    %scan3A_31 = arith.constant 1 : i32
    %scan3A_32 = scf.for %scan3A_55 = %scan3A_28 to %scan3A_30 step %scan3A_31 iter_args(%scan3A_56 = %scan3A_27) -> (i32)  : i32 {
      %mul3A_57 = arith.constant 3456 : i32
      %mul3A_58 = arith.muli %scan3A_55, %mul3A_57 : i32
      "tpu.region"() ({
        %run_scoped3A = tpu.sem_alloc : memref<!tpu.dma_semaphore, #tpu.memory_space<semaphore_mem>>
        %dma_start3A = tpu.memref_slice %arg3[%add3A, %mul3A_58] : memref<32x10368xi32, #tpu.memory_space<hbm>> -> memref<1x3456xi32, #tpu.memory_space<hbm>>
        %dma_start3A_69 = tpu.memref_squeeze %dma_start3A : memref<1x3456xi32, #tpu.memory_space<hbm>> -> memref<3456xi32, #tpu.memory_space<hbm>>
        %dma_start3A_70 = tpu.memref_slice %arg3[%add3A, %mul3A_58] : memref<32x10368xi32, #tpu.memory_space<hbm>> -> memref<1x3456xi32, #tpu.memory_space<hbm>>
        %dma_start3A_71 = tpu.memref_squeeze %dma_start3A_70 : memref<1x3456xi32, #tpu.memory_space<hbm>> -> memref<3456xi32, #tpu.memory_space<hbm>>
        tpu.enqueue_dma source(%dma_start3A_71 : memref<3456xi32, #tpu.memory_space<hbm>>) target(%arg10 : memref<3456xi32, #tpu.memory_space<vmem>>) target_semaphore(%run_scoped3A : memref<!tpu.dma_semaphore, #tpu.memory_space<semaphore_mem>>)
        %dma_wait3A = tpu.memref_slice %arg3[%add3A, %mul3A_58] : memref<32x10368xi32, #tpu.memory_space<hbm>> -> memref<1x3456xi32, #tpu.memory_space<hbm>>
        %dma_wait3A_72 = tpu.memref_squeeze %dma_wait3A : memref<1x3456xi32, #tpu.memory_space<hbm>> -> memref<3456xi32, #tpu.memory_space<hbm>>
        %dma_wait3A_73 = tpu.memref_slice %arg3[%add3A, %mul3A_58] : memref<32x10368xi32, #tpu.memory_space<hbm>> -> memref<1x3456xi32, #tpu.memory_space<hbm>>
        %dma_wait3A_74 = tpu.memref_squeeze %dma_wait3A_73 : memref<1x3456xi32, #tpu.memory_space<hbm>> -> memref<3456xi32, #tpu.memory_space<hbm>>
        tpu.wait_dma2 semaphore(%run_scoped3A : memref<!tpu.dma_semaphore, #tpu.memory_space<semaphore_mem>>) src(%dma_wait3A_74 : memref<3456xi32, #tpu.memory_space<hbm>>) dst(%arg10 : memref<3456xi32, #tpu.memory_space<vmem>>)
        tpu.yield
      }) : () -> ()
      %mul3A_59 = arith.constant 3456 : i32
      %mul3A_60 = arith.muli %scan3A_55, %mul3A_59 : i32
      "tpu.region"() ({
        %run_scoped3A = tpu.sem_alloc : memref<!tpu.dma_semaphore, #tpu.memory_space<semaphore_mem>>
        %dma_start3A = tpu.memref_slice %arg5[%add3A, %mul3A_60] : memref<32x10368xf32, #tpu.memory_space<hbm>> -> memref<1x3456xf32, #tpu.memory_space<hbm>>
        %dma_start3A_69 = tpu.memref_squeeze %dma_start3A : memref<1x3456xf32, #tpu.memory_space<hbm>> -> memref<3456xf32, #tpu.memory_space<hbm>>
        %dma_start3A_70 = tpu.memref_slice %arg5[%add3A, %mul3A_60] : memref<32x10368xf32, #tpu.memory_space<hbm>> -> memref<1x3456xf32, #tpu.memory_space<hbm>>
        %dma_start3A_71 = tpu.memref_squeeze %dma_start3A_70 : memref<1x3456xf32, #tpu.memory_space<hbm>> -> memref<3456xf32, #tpu.memory_space<hbm>>
        tpu.enqueue_dma source(%dma_start3A_71 : memref<3456xf32, #tpu.memory_space<hbm>>) target(%arg12 : memref<3456xf32, #tpu.memory_space<vmem>>) target_semaphore(%run_scoped3A : memref<!tpu.dma_semaphore, #tpu.memory_space<semaphore_mem>>)
        %dma_wait3A = tpu.memref_slice %arg5[%add3A, %mul3A_60] : memref<32x10368xf32, #tpu.memory_space<hbm>> -> memref<1x3456xf32, #tpu.memory_space<hbm>>
        %dma_wait3A_72 = tpu.memref_squeeze %dma_wait3A : memref<1x3456xf32, #tpu.memory_space<hbm>> -> memref<3456xf32, #tpu.memory_space<hbm>>
        %dma_wait3A_73 = tpu.memref_slice %arg5[%add3A, %mul3A_60] : memref<32x10368xf32, #tpu.memory_space<hbm>> -> memref<1x3456xf32, #tpu.memory_space<hbm>>
        %dma_wait3A_74 = tpu.memref_squeeze %dma_wait3A_73 : memref<1x3456xf32, #tpu.memory_space<hbm>> -> memref<3456xf32, #tpu.memory_space<hbm>>
        tpu.wait_dma2 semaphore(%run_scoped3A : memref<!tpu.dma_semaphore, #tpu.memory_space<semaphore_mem>>) src(%dma_wait3A_74 : memref<3456xf32, #tpu.memory_space<hbm>>) dst(%arg12 : memref<3456xf32, #tpu.memory_space<vmem>>)
        tpu.yield
      }) : () -> ()
      %scan3A_61 = arith.constant 0 : i32
      %scan3A_62 = arith.constant 0 : i32
      %scan3A_63 = arith.constant 27 : i32
      %scan3A_64 = arith.addi %scan3A_62, %scan3A_63 : i32
      %scan3A_65 = arith.constant 1 : i32
      %scan3A_66 = scf.for %scan3A_69 = %scan3A_62 to %scan3A_64 step %scan3A_65 iter_args(%scan3A_70 = %scan3A_61) -> (i32)  : i32 {
        %mul3A_71 = arith.constant 27 : i32
        %mul3A_72 = arith.muli %scan3A_55, %mul3A_71 : i32
        %add3A_73 = arith.addi %mul3A_72, %scan3A_69 : i32
        %mul3A_74 = arith.constant 128 : i32
        %mul3A_75 = arith.muli %scan3A_69, %mul3A_74 : i32
        "tpu.region"() ({
          %run_scoped3A = tpu.sem_alloc : memref<!tpu.dma_semaphore, #tpu.memory_space<semaphore_mem>>
          %dma_start3A = tpu.memref_slice %arg10[%mul3A_75] : memref<3456xi32, #tpu.memory_space<vmem>> -> memref<128xi32, #tpu.memory_space<vmem>>
          %dma_start3A_91 = arith.constant 0 : i32
          %dma_start3A_92 = arith.constant 0 : i32
          %dma_start3A_93 = tpu.memref_slice %arg2[%dma_start3A_91, %dma_start3A_92] : memref<10000x128xf32, #tpu.memory_space<hbm>> -> memref<10000x128xf32, #tpu.memory_space<hbm>>
          tpu.enqueue_indirect_dma source(%dma_start3A_93 : memref<10000x128xf32, #tpu.memory_space<hbm>>) target(%arg13 : memref<128x128xf32, #tpu.memory_space<vmem>>) offsets(%dma_start3A : memref<128xi32, #tpu.memory_space<vmem>>) semaphore(%run_scoped3A : memref<!tpu.dma_semaphore, #tpu.memory_space<semaphore_mem>>)
          %dma_wait3A = tpu.memref_slice %arg10[%mul3A_75] : memref<3456xi32, #tpu.memory_space<vmem>> -> memref<128xi32, #tpu.memory_space<vmem>>
          %dma_wait3A_94 = arith.constant 0 : i32
          %dma_wait3A_95 = arith.constant 0 : i32
          %dma_wait3A_96 = tpu.memref_slice %arg2[%dma_wait3A_94, %dma_wait3A_95] : memref<10000x128xf32, #tpu.memory_space<hbm>> -> memref<10000x128xf32, #tpu.memory_space<hbm>>
          tpu.wait_indirect_dma semaphore(%run_scoped3A : memref<!tpu.dma_semaphore, #tpu.memory_space<semaphore_mem>>) src(%dma_wait3A_96 : memref<10000x128xf32, #tpu.memory_space<hbm>>) dst(%arg13 : memref<128x128xf32, #tpu.memory_space<vmem>>)
          tpu.yield
        }) : () -> ()
        %scan3A_76 = arith.constant 0 : i32
        %scan3A_77 = arith.constant 0 : i32
        %scan3A_78 = arith.constant 8 : i32
        %scan3A_79 = arith.addi %scan3A_77, %scan3A_78 : i32
        %scan3A_80 = arith.constant 1 : i32
        %scan3A_81 = scf.for %scan3A_91 = %scan3A_77 to %scan3A_79 step %scan3A_80 iter_args(%scan3A_92 = %scan3A_76) -> (i32)  : i32 {
          %mul3A_93 = arith.constant 128 : i32
          %mul3A_94 = arith.muli %scan3A_69, %mul3A_93 : i32
          %mul3A_95 = arith.constant 16 : i32
          %mul3A_96 = arith.muli %scan3A_91, %mul3A_95 : i32
          %add3A_97 = arith.addi %mul3A_94, %mul3A_96 : i32
          %get3A = arith.index_cast %add3A_97 : i32 to index
          %get3A_98 = tpu.vector_load %arg10[%get3A] {strides = array<i32>} : memref<3456xi32, #tpu.memory_space<vmem>>, vector<16xi32>,
          %mul3A_99 = arith.constant 16 : i32
          %mul3A_100 = arith.muli %scan3A_91, %mul3A_99 : i32
          %get3A_101 = arith.index_cast %add3A_73 : i32 to index
          %get3A_102 = arith.index_cast %mul3A_100 : i32 to index
          %get3A_103 = tpu.vector_load %arg11[%get3A_101, %get3A_102] {strides = array<i32>} : memref<81x128xi32, #tpu.memory_space<vmem>>, vector<16xi32>,
          %mul3A_104 = arith.constant 128 : i32
          %mul3A_105 = arith.muli %scan3A_69, %mul3A_104 : i32
          %mul3A_106 = arith.constant 16 : i32
          %mul3A_107 = arith.muli %scan3A_91, %mul3A_106 : i32
          %add3A_108 = arith.addi %mul3A_105, %mul3A_107 : i32
          %get3A_109 = arith.index_cast %add3A_108 : i32 to index
          %get3A_110 = tpu.vector_load %arg12[%get3A_109] {strides = array<i32>} : memref<3456xf32, #tpu.memory_space<vmem>>, vector<16xf32>,
          %gather3A = tpu.vector_load_idx %arg9[%get3A_98] : memref<10240xf32, #tpu.memory_space<vmem>>[vector<16xi32>], vector<16xf32>,
          %mul3A_111 = arith.mulf %get3A_110, %gather3A : vector<16xf32>
          %gather3A_112 = tpu.vector_load_idx %arg9[%get3A_103] : memref<10240xf32, #tpu.memory_space<vmem>>[vector<16xi32>], vector<16xf32>,
          %mul3A_113 = arith.mulf %mul3A_111, %gather3A_112 : vector<16xf32>
          %mul3A_114 = arith.constant 16 : i32
          %mul3A_115 = arith.muli %scan3A_91, %mul3A_114 : i32
          %swap3A = arith.index_cast %mul3A_115 : i32 to index
          %swap3A_116 = tpu.vector_load %arg14[%swap3A] {strides = array<i32>} : memref<128xf32, #tpu.memory_space<vmem>>, vector<16xf32>,
          tpu.vector_store %arg14[%swap3A], %mul3A_113 {strides = array<i32>} : memref<128xf32, #tpu.memory_space<vmem>>, vector<16xf32>,
          %scan3A_117 = arith.constant 0 : i32
          scf.yield %scan3A_117 : i32
        }
        %scan3A_82 = arith.constant 8 : i32
        %scan3A_83 = arith.constant 0 : i32
        %scan3A_84 = arith.constant 0 : i32
        %scan3A_85 = arith.constant 128 : i32
        %scan3A_86 = arith.addi %scan3A_84, %scan3A_85 : i32
        %scan3A_87 = arith.constant 1 : i32
        %scan3A_88 = scf.for %scan3A_91 = %scan3A_84 to %scan3A_86 step %scan3A_87 iter_args(%scan3A_92 = %scan3A_83) -> (i32)  : i32 {
          %broadcast_in_dim3A = vector.broadcast %scan3A_91 : i32 to vector<16xi32>
          %gather3A = tpu.vector_load_idx %arg14[%broadcast_in_dim3A] : memref<128xf32, #tpu.memory_space<vmem>>[vector<16xi32>], vector<16xf32>,
          %get3A = arith.index_cast %scan3A_91 : i32 to index
          %get3A_93 = arith.constant 0 : index
          %get3A_94 = tpu.vector_load %arg13[%get3A, %get3A_93] {strides = array<i32>} : memref<128x128xf32, #tpu.memory_space<vmem>>, vector<16xf32>,
          %mul3A_95 = arith.mulf %get3A_94, %gather3A : vector<16xf32>
          %swap3A = arith.index_cast %scan3A_91 : i32 to index
          %swap3A_96 = arith.constant 0 : index
          %swap3A_97 = tpu.vector_load %arg13[%swap3A, %swap3A_96] {strides = array<i32>} : memref<128x128xf32, #tpu.memory_space<vmem>>, vector<16xf32>,
          tpu.vector_store %arg13[%swap3A, %swap3A_96], %mul3A_95 {strides = array<i32>} : memref<128x128xf32, #tpu.memory_space<vmem>>, vector<16xf32>,
          %get3A_98 = arith.index_cast %scan3A_91 : i32 to index
          %get3A_99 = arith.constant 16 : index
          %get3A_100 = tpu.vector_load %arg13[%get3A_98, %get3A_99] {strides = array<i32>} : memref<128x128xf32, #tpu.memory_space<vmem>>, vector<16xf32>,
          %mul3A_101 = arith.mulf %get3A_100, %gather3A : vector<16xf32>
          %swap3A_102 = arith.index_cast %scan3A_91 : i32 to index
          %swap3A_103 = arith.constant 16 : index
          %swap3A_104 = tpu.vector_load %arg13[%swap3A_102, %swap3A_103] {strides = array<i32>} : memref<128x128xf32, #tpu.memory_space<vmem>>, vector<16xf32>,
          tpu.vector_store %arg13[%swap3A_102, %swap3A_103], %mul3A_101 {strides = array<i32>} : memref<128x128xf32, #tpu.memory_space<vmem>>, vector<16xf32>,
          %get3A_105 = arith.index_cast %scan3A_91 : i32 to index
          %get3A_106 = arith.constant 32 : index
          %get3A_107 = tpu.vector_load %arg13[%get3A_105, %get3A_106] {strides = array<i32>} : memref<128x128xf32, #tpu.memory_space<vmem>>, vector<16xf32>,
          %mul3A_108 = arith.mulf %get3A_107, %gather3A : vector<16xf32>
          %swap3A_109 = arith.index_cast %scan3A_91 : i32 to index
          %swap3A_110 = arith.constant 32 : index
          %swap3A_111 = tpu.vector_load %arg13[%swap3A_109, %swap3A_110] {strides = array<i32>} : memref<128x128xf32, #tpu.memory_space<vmem>>, vector<16xf32>,
          tpu.vector_store %arg13[%swap3A_109, %swap3A_110], %mul3A_108 {strides = array<i32>} : memref<128x128xf32, #tpu.memory_space<vmem>>, vector<16xf32>,
          %get3A_112 = arith.index_cast %scan3A_91 : i32 to index
          %get3A_113 = arith.constant 48 : index
          %get3A_114 = tpu.vector_load %arg13[%get3A_112, %get3A_113] {strides = array<i32>} : memref<128x128xf32, #tpu.memory_space<vmem>>, vector<16xf32>,
          %mul3A_115 = arith.mulf %get3A_114, %gather3A : vector<16xf32>
          %swap3A_116 = arith.index_cast %scan3A_91 : i32 to index
          %swap3A_117 = arith.constant 48 : index
          %swap3A_118 = tpu.vector_load %arg13[%swap3A_116, %swap3A_117] {strides = array<i32>} : memref<128x128xf32, #tpu.memory_space<vmem>>, vector<16xf32>,
          tpu.vector_store %arg13[%swap3A_116, %swap3A_117], %mul3A_115 {strides = array<i32>} : memref<128x128xf32, #tpu.memory_space<vmem>>, vector<16xf32>,
          %get3A_119 = arith.index_cast %scan3A_91 : i32 to index
          %get3A_120 = arith.constant 64 : index
          %get3A_121 = tpu.vector_load %arg13[%get3A_119, %get3A_120] {strides = array<i32>} : memref<128x128xf32, #tpu.memory_space<vmem>>, vector<16xf32>,
          %mul3A_122 = arith.mulf %get3A_121, %gather3A : vector<16xf32>
          %swap3A_123 = arith.index_cast %scan3A_91 : i32 to index
          %swap3A_124 = arith.constant 64 : index
          %swap3A_125 = tpu.vector_load %arg13[%swap3A_123, %swap3A_124] {strides = array<i32>} : memref<128x128xf32, #tpu.memory_space<vmem>>, vector<16xf32>,
          tpu.vector_store %arg13[%swap3A_123, %swap3A_124], %mul3A_122 {strides = array<i32>} : memref<128x128xf32, #tpu.memory_space<vmem>>, vector<16xf32>,
          %get3A_126 = arith.index_cast %scan3A_91 : i32 to index
          %get3A_127 = arith.constant 80 : index
          %get3A_128 = tpu.vector_load %arg13[%get3A_126, %get3A_127] {strides = array<i32>} : memref<128x128xf32, #tpu.memory_space<vmem>>, vector<16xf32>,
          %mul3A_129 = arith.mulf %get3A_128, %gather3A : vector<16xf32>
          %swap3A_130 = arith.index_cast %scan3A_91 : i32 to index
          %swap3A_131 = arith.constant 80 : index
          %swap3A_132 = tpu.vector_load %arg13[%swap3A_130, %swap3A_131] {strides = array<i32>} : memref<128x128xf32, #tpu.memory_space<vmem>>, vector<16xf32>,
          tpu.vector_store %arg13[%swap3A_130, %swap3A_131], %mul3A_129 {strides = array<i32>} : memref<128x128xf32, #tpu.memory_space<vmem>>, vector<16xf32>,
          %get3A_133 = arith.index_cast %scan3A_91 : i32 to index
          %get3A_134 = arith.constant 96 : index
          %get3A_135 = tpu.vector_load %arg13[%get3A_133, %get3A_134] {strides = array<i32>} : memref<128x128xf32, #tpu.memory_space<vmem>>, vector<16xf32>,
          %mul3A_136 = arith.mulf %get3A_135, %gather3A : vector<16xf32>
          %swap3A_137 = arith.index_cast %scan3A_91 : i32 to index
          %swap3A_138 = arith.constant 96 : index
          %swap3A_139 = tpu.vector_load %arg13[%swap3A_137, %swap3A_138] {strides = array<i32>} : memref<128x128xf32, #tpu.memory_space<vmem>>, vector<16xf32>,
          tpu.vector_store %arg13[%swap3A_137, %swap3A_138], %mul3A_136 {strides = array<i32>} : memref<128x128xf32, #tpu.memory_space<vmem>>, vector<16xf32>,
          %get3A_140 = arith.index_cast %scan3A_91 : i32 to index
          %get3A_141 = arith.constant 112 : index
          %get3A_142 = tpu.vector_load %arg13[%get3A_140, %get3A_141] {strides = array<i32>} : memref<128x128xf32, #tpu.memory_space<vmem>>, vector<16xf32>,
          %mul3A_143 = arith.mulf %get3A_142, %gather3A : vector<16xf32>
          %swap3A_144 = arith.index_cast %scan3A_91 : i32 to index
          %swap3A_145 = arith.constant 112 : index
          %swap3A_146 = tpu.vector_load %arg13[%swap3A_144, %swap3A_145] {strides = array<i32>} : memref<128x128xf32, #tpu.memory_space<vmem>>, vector<16xf32>,
          tpu.vector_store %arg13[%swap3A_144, %swap3A_145], %mul3A_143 {strides = array<i32>} : memref<128x128xf32, #tpu.memory_space<vmem>>, vector<16xf32>,
          %scan3A_147 = arith.constant 0 : i32
          scf.yield %scan3A_147 : i32
        }
        %scan3A_89 = arith.constant 128 : i32
        "tpu.region"() ({
          %run_scoped3A = tpu.sem_alloc : memref<!tpu.dma_semaphore, #tpu.memory_space<semaphore_mem>>
          %dma_start3A = arith.constant 0 : i32
          %dma_start3A_91 = tpu.memref_slice %arg11[%add3A_73, %dma_start3A] : memref<81x128xi32, #tpu.memory_space<vmem>> -> memref<1x128xi32, #tpu.memory_space<vmem>>
          %dma_start3A_92 = tpu.memref_squeeze %dma_start3A_91 : memref<1x128xi32, #tpu.memory_space<vmem>> -> memref<128xi32, #tpu.memory_space<vmem>>
          %dma_start3A_93 = arith.constant 0 : i32
          %dma_start3A_94 = arith.constant 0 : i32
          %dma_start3A_95 = tpu.memref_slice %arg8[%dma_start3A_93, %dma_start3A_94] : memref<10240x128xf32, #tpu.memory_space<vmem_shared>> -> memref<10240x128xf32, #tpu.memory_space<vmem_shared>>
          tpu.enqueue_indirect_dma source(%arg13 : memref<128x128xf32, #tpu.memory_space<vmem>>) target(%dma_start3A_95 : memref<10240x128xf32, #tpu.memory_space<vmem_shared>>) offsets(%dma_start3A_92 : memref<128xi32, #tpu.memory_space<vmem>>) semaphore(%run_scoped3A : memref<!tpu.dma_semaphore, #tpu.memory_space<semaphore_mem>>) {add = true}
          %dma_wait3A = arith.constant 0 : i32
          %dma_wait3A_96 = tpu.memref_slice %arg11[%add3A_73, %dma_wait3A] : memref<81x128xi32, #tpu.memory_space<vmem>> -> memref<1x128xi32, #tpu.memory_space<vmem>>
          %dma_wait3A_97 = tpu.memref_squeeze %dma_wait3A_96 : memref<1x128xi32, #tpu.memory_space<vmem>> -> memref<128xi32, #tpu.memory_space<vmem>>
          %dma_wait3A_98 = arith.constant 0 : i32
          %dma_wait3A_99 = arith.constant 0 : i32
          %dma_wait3A_100 = tpu.memref_slice %arg8[%dma_wait3A_98, %dma_wait3A_99] : memref<10240x128xf32, #tpu.memory_space<vmem_shared>> -> memref<10240x128xf32, #tpu.memory_space<vmem_shared>>
          tpu.wait_indirect_dma semaphore(%run_scoped3A : memref<!tpu.dma_semaphore, #tpu.memory_space<semaphore_mem>>) src(%arg13 : memref<128x128xf32, #tpu.memory_space<vmem>>) dst(%dma_wait3A_100 : memref<10240x128xf32, #tpu.memory_space<vmem_shared>>)
          tpu.yield
        }) : () -> ()
        %scan3A_90 = arith.constant 0 : i32
        scf.yield %scan3A_90 : i32
      }
      %scan3A_67 = arith.constant 27 : i32
      %scan3A_68 = arith.constant 0 : i32
      scf.yield %scan3A_68 : i32
    }
    %scan3A_33 = arith.constant 3 : i32
    %barrier3A_34 = arith.constant 0 : index
    tpu.barrier barrier_id(%barrier3A_34)
    %mul3A_35 = arith.constant 640 : i32
    %mul3A_36 = arith.muli %arg1, %mul3A_35 : i32
    %add3A_37 = arith.constant 0 : i32
    %add3A_38 = arith.addi %mul3A_36, %add3A_37 : i32
    "tpu.region"() ({
      %run_scoped3A = tpu.sem_alloc : memref<!tpu.dma_semaphore, #tpu.memory_space<semaphore_mem>>
      %dma_start3A = arith.constant 0 : i32
      %dma_start3A_55 = tpu.memref_slice %arg7[%arg0, %add3A_38, %dma_start3A] : memref<2x10240x128xf32, #tpu.memory_space<hbm>> -> memref<1x128x128xf32, #tpu.memory_space<hbm>>
      %dma_start3A_56 = tpu.memref_squeeze %dma_start3A_55 : memref<1x128x128xf32, #tpu.memory_space<hbm>> -> memref<128x128xf32, #tpu.memory_space<hbm>>
      %dma_start3A_57 = arith.constant 0 : i32
      %dma_start3A_58 = tpu.memref_slice %arg8[%add3A_38, %dma_start3A_57] : memref<10240x128xf32, #tpu.memory_space<vmem_shared>> -> memref<128x128xf32, #tpu.memory_space<vmem_shared>>
      tpu.enqueue_dma source(%dma_start3A_58 : memref<128x128xf32, #tpu.memory_space<vmem_shared>>) target(%dma_start3A_56 : memref<128x128xf32, #tpu.memory_space<hbm>>) target_semaphore(%run_scoped3A : memref<!tpu.dma_semaphore, #tpu.memory_space<semaphore_mem>>)
      %dma_wait3A = arith.constant 0 : i32
      %dma_wait3A_59 = tpu.memref_slice %arg7[%arg0, %add3A_38, %dma_wait3A] : memref<2x10240x128xf32, #tpu.memory_space<hbm>> -> memref<1x128x128xf32, #tpu.memory_space<hbm>>
      %dma_wait3A_60 = tpu.memref_squeeze %dma_wait3A_59 : memref<1x128x128xf32, #tpu.memory_space<hbm>> -> memref<128x128xf32, #tpu.memory_space<hbm>>
      %dma_wait3A_61 = arith.constant 0 : i32
      %dma_wait3A_62 = tpu.memref_slice %arg8[%add3A_38, %dma_wait3A_61] : memref<10240x128xf32, #tpu.memory_space<vmem_shared>> -> memref<128x128xf32, #tpu.memory_space<vmem_shared>>
      tpu.wait_dma2 semaphore(%run_scoped3A : memref<!tpu.dma_semaphore, #tpu.memory_space<semaphore_mem>>) src(%dma_wait3A_62 : memref<128x128xf32, #tpu.memory_space<vmem_shared>>) dst(%dma_wait3A_60 : memref<128x128xf32, #tpu.memory_space<hbm>>)
      tpu.yield
    }) : () -> ()
    %mul3A_39 = arith.constant 640 : i32
    %mul3A_40 = arith.muli %arg1, %mul3A_39 : i32
    %add3A_41 = arith.constant 128 : i32
    %add3A_42 = arith.addi %mul3A_40, %add3A_41 : i32
    "tpu.region"() ({
      %run_scoped3A = tpu.sem_alloc : memref<!tpu.dma_semaphore, #tpu.memory_space<semaphore_mem>>
      %dma_start3A = arith.constant 0 : i32
      %dma_start3A_55 = tpu.memref_slice %arg7[%arg0, %add3A_42, %dma_start3A] : memref<2x10240x128xf32, #tpu.memory_space<hbm>> -> memref<1x128x128xf32, #tpu.memory_space<hbm>>
      %dma_start3A_56 = tpu.memref_squeeze %dma_start3A_55 : memref<1x128x128xf32, #tpu.memory_space<hbm>> -> memref<128x128xf32, #tpu.memory_space<hbm>>
      %dma_start3A_57 = arith.constant 0 : i32
      %dma_start3A_58 = tpu.memref_slice %arg8[%add3A_42, %dma_start3A_57] : memref<10240x128xf32, #tpu.memory_space<vmem_shared>> -> memref<128x128xf32, #tpu.memory_space<vmem_shared>>
      tpu.enqueue_dma source(%dma_start3A_58 : memref<128x128xf32, #tpu.memory_space<vmem_shared>>) target(%dma_start3A_56 : memref<128x128xf32, #tpu.memory_space<hbm>>) target_semaphore(%run_scoped3A : memref<!tpu.dma_semaphore, #tpu.memory_space<semaphore_mem>>)
      %dma_wait3A = arith.constant 0 : i32
      %dma_wait3A_59 = tpu.memref_slice %arg7[%arg0, %add3A_42, %dma_wait3A] : memref<2x10240x128xf32, #tpu.memory_space<hbm>> -> memref<1x128x128xf32, #tpu.memory_space<hbm>>
      %dma_wait3A_60 = tpu.memref_squeeze %dma_wait3A_59 : memref<1x128x128xf32, #tpu.memory_space<hbm>> -> memref<128x128xf32, #tpu.memory_space<hbm>>
      %dma_wait3A_61 = arith.constant 0 : i32
      %dma_wait3A_62 = tpu.memref_slice %arg8[%add3A_42, %dma_wait3A_61] : memref<10240x128xf32, #tpu.memory_space<vmem_shared>> -> memref<128x128xf32, #tpu.memory_space<vmem_shared>>
      tpu.wait_dma2 semaphore(%run_scoped3A : memref<!tpu.dma_semaphore, #tpu.memory_space<semaphore_mem>>) src(%dma_wait3A_62 : memref<128x128xf32, #tpu.memory_space<vmem_shared>>) dst(%dma_wait3A_60 : memref<128x128xf32, #tpu.memory_space<hbm>>)
      tpu.yield
    }) : () -> ()
    %mul3A_43 = arith.constant 640 : i32
    %mul3A_44 = arith.muli %arg1, %mul3A_43 : i32
    %add3A_45 = arith.constant 256 : i32
    %add3A_46 = arith.addi %mul3A_44, %add3A_45 : i32
    "tpu.region"() ({
      %run_scoped3A = tpu.sem_alloc : memref<!tpu.dma_semaphore, #tpu.memory_space<semaphore_mem>>
      %dma_start3A = arith.constant 0 : i32
      %dma_start3A_55 = tpu.memref_slice %arg7[%arg0, %add3A_46, %dma_start3A] : memref<2x10240x128xf32, #tpu.memory_space<hbm>> -> memref<1x128x128xf32, #tpu.memory_space<hbm>>
      %dma_start3A_56 = tpu.memref_squeeze %dma_start3A_55 : memref<1x128x128xf32, #tpu.memory_space<hbm>> -> memref<128x128xf32, #tpu.memory_space<hbm>>
      %dma_start3A_57 = arith.constant 0 : i32
      %dma_start3A_58 = tpu.memref_slice %arg8[%add3A_46, %dma_start3A_57] : memref<10240x128xf32, #tpu.memory_space<vmem_shared>> -> memref<128x128xf32, #tpu.memory_space<vmem_shared>>
      tpu.enqueue_dma source(%dma_start3A_58 : memref<128x128xf32, #tpu.memory_space<vmem_shared>>) target(%dma_start3A_56 : memref<128x128xf32, #tpu.memory_space<hbm>>) target_semaphore(%run_scoped3A : memref<!tpu.dma_semaphore, #tpu.memory_space<semaphore_mem>>)
      %dma_wait3A = arith.constant 0 : i32
      %dma_wait3A_59 = tpu.memref_slice %arg7[%arg0, %add3A_46, %dma_wait3A] : memref<2x10240x128xf32, #tpu.memory_space<hbm>> -> memref<1x128x128xf32, #tpu.memory_space<hbm>>
      %dma_wait3A_60 = tpu.memref_squeeze %dma_wait3A_59 : memref<1x128x128xf32, #tpu.memory_space<hbm>> -> memref<128x128xf32, #tpu.memory_space<hbm>>
      %dma_wait3A_61 = arith.constant 0 : i32
      %dma_wait3A_62 = tpu.memref_slice %arg8[%add3A_46, %dma_wait3A_61] : memref<10240x128xf32, #tpu.memory_space<vmem_shared>> -> memref<128x128xf32, #tpu.memory_space<vmem_shared>>
      tpu.wait_dma2 semaphore(%run_scoped3A : memref<!tpu.dma_semaphore, #tpu.memory_space<semaphore_mem>>) src(%dma_wait3A_62 : memref<128x128xf32, #tpu.memory_space<vmem_shared>>) dst(%dma_wait3A_60 : memref<128x128xf32, #tpu.memory_space<hbm>>)
      tpu.yield
    }) : () -> ()
    %mul3A_47 = arith.constant 640 : i32
    %mul3A_48 = arith.muli %arg1, %mul3A_47 : i32
    %add3A_49 = arith.constant 384 : i32
    %add3A_50 = arith.addi %mul3A_48, %add3A_49 : i32
    "tpu.region"() ({
      %run_scoped3A = tpu.sem_alloc : memref<!tpu.dma_semaphore, #tpu.memory_space<semaphore_mem>>
      %dma_start3A = arith.constant 0 : i32
      %dma_start3A_55 = tpu.memref_slice %arg7[%arg0, %add3A_50, %dma_start3A] : memref<2x10240x128xf32, #tpu.memory_space<hbm>> -> memref<1x128x128xf32, #tpu.memory_space<hbm>>
      %dma_start3A_56 = tpu.memref_squeeze %dma_start3A_55 : memref<1x128x128xf32, #tpu.memory_space<hbm>> -> memref<128x128xf32, #tpu.memory_space<hbm>>
      %dma_start3A_57 = arith.constant 0 : i32
      %dma_start3A_58 = tpu.memref_slice %arg8[%add3A_50, %dma_start3A_57] : memref<10240x128xf32, #tpu.memory_space<vmem_shared>> -> memref<128x128xf32, #tpu.memory_space<vmem_shared>>
      tpu.enqueue_dma source(%dma_start3A_58 : memref<128x128xf32, #tpu.memory_space<vmem_shared>>) target(%dma_start3A_56 : memref<128x128xf32, #tpu.memory_space<hbm>>) target_semaphore(%run_scoped3A : memref<!tpu.dma_semaphore, #tpu.memory_space<semaphore_mem>>)
      %dma_wait3A = arith.constant 0 : i32
      %dma_wait3A_59 = tpu.memref_slice %arg7[%arg0, %add3A_50, %dma_wait3A] : memref<2x10240x128xf32, #tpu.memory_space<hbm>> -> memref<1x128x128xf32, #tpu.memory_space<hbm>>
      %dma_wait3A_60 = tpu.memref_squeeze %dma_wait3A_59 : memref<1x128x128xf32, #tpu.memory_space<hbm>> -> memref<128x128xf32, #tpu.memory_space<hbm>>
      %dma_wait3A_61 = arith.constant 0 : i32
      %dma_wait3A_62 = tpu.memref_slice %arg8[%add3A_50, %dma_wait3A_61] : memref<10240x128xf32, #tpu.memory_space<vmem_shared>> -> memref<128x128xf32, #tpu.memory_space<vmem_shared>>
      tpu.wait_dma2 semaphore(%run_scoped3A : memref<!tpu.dma_semaphore, #tpu.memory_space<semaphore_mem>>) src(%dma_wait3A_62 : memref<128x128xf32, #tpu.memory_space<vmem_shared>>) dst(%dma_wait3A_60 : memref<128x128xf32, #tpu.memory_space<hbm>>)
      tpu.yield
    }) : () -> ()
    %mul3A_51 = arith.constant 640 : i32
    %mul3A_52 = arith.muli %arg1, %mul3A_51 : i32
    %add3A_53 = arith.constant 512 : i32
    %add3A_54 = arith.addi %mul3A_52, %add3A_53 : i32
    "tpu.region"() ({
      %run_scoped3A = tpu.sem_alloc : memref<!tpu.dma_semaphore, #tpu.memory_space<semaphore_mem>>
      %dma_start3A = arith.constant 0 : i32
      %dma_start3A_55 = tpu.memref_slice %arg7[%arg0, %add3A_54, %dma_start3A] : memref<2x10240x128xf32, #tpu.memory_space<hbm>> -> memref<1x128x128xf32, #tpu.memory_space<hbm>>
      %dma_start3A_56 = tpu.memref_squeeze %dma_start3A_55 : memref<1x128x128xf32, #tpu.memory_space<hbm>> -> memref<128x128xf32, #tpu.memory_space<hbm>>
      %dma_start3A_57 = arith.constant 0 : i32
      %dma_start3A_58 = tpu.memref_slice %arg8[%add3A_54, %dma_start3A_57] : memref<10240x128xf32, #tpu.memory_space<vmem_shared>> -> memref<128x128xf32, #tpu.memory_space<vmem_shared>>
      tpu.enqueue_dma source(%dma_start3A_58 : memref<128x128xf32, #tpu.memory_space<vmem_shared>>) target(%dma_start3A_56 : memref<128x128xf32, #tpu.memory_space<hbm>>) target_semaphore(%run_scoped3A : memref<!tpu.dma_semaphore, #tpu.memory_space<semaphore_mem>>)
      %dma_wait3A = arith.constant 0 : i32
      %dma_wait3A_59 = tpu.memref_slice %arg7[%arg0, %add3A_54, %dma_wait3A] : memref<2x10240x128xf32, #tpu.memory_space<hbm>> -> memref<1x128x128xf32, #tpu.memory_space<hbm>>
      %dma_wait3A_60 = tpu.memref_squeeze %dma_wait3A_59 : memref<1x128x128xf32, #tpu.memory_space<hbm>> -> memref<128x128xf32, #tpu.memory_space<hbm>>
      %dma_wait3A_61 = arith.constant 0 : i32
      %dma_wait3A_62 = tpu.memref_slice %arg8[%add3A_54, %dma_wait3A_61] : memref<10240x128xf32, #tpu.memory_space<vmem_shared>> -> memref<128x128xf32, #tpu.memory_space<vmem_shared>>
      tpu.wait_dma2 semaphore(%run_scoped3A : memref<!tpu.dma_semaphore, #tpu.memory_space<semaphore_mem>>) src(%dma_wait3A_62 : memref<128x128xf32, #tpu.memory_space<vmem_shared>>) dst(%dma_wait3A_60 : memref<128x128xf32, #tpu.memory_space<hbm>>)
      tpu.yield
    }) : () -> ()
    return
  }
}

module attributes {stable_mosaic.version = 14 : i64} {
  func.func @_out_body(%arg0: i32, %arg1: memref<2x1000x128xf32, #tpu.memory_space<vmem>>, %arg2: memref<128x128xf32, #tpu.memory_space<vmem>>, %arg3: memref<1x128xf32, #tpu.memory_space<vmem>>, %arg4: memref<1000x128xf32, #tpu.memory_space<vmem>>) attributes {dimension_semantics = [#tpu.dimension_semantics<arbitrary>], iteration_bounds = array<i64: 10>, scalar_prefetch = 0 : i64, scratch_operands = 0 : i64, tpu.core_type = #tpu.core_type<tc>, window_params = [{transform_indices = @transform_0, window_bounds = array<i64: 2, 1000, 128>}, {pipeline_mode = #tpu.pipeline_mode<synchronous>, transform_indices = @transform_1, window_bounds = array<i64: 128, 128>}, {pipeline_mode = #tpu.pipeline_mode<synchronous>, transform_indices = @transform_2, window_bounds = array<i64: 1, 128>}, {transform_indices = @transform_3, window_bounds = array<i64: 1000, 128>}]} {
    %get3A = arith.constant 0 : index
    %get3A_0 = arith.constant 0 : index
    %get3A_1 = arith.constant 0 : index
    %get3A_2 = vector.load %arg1[%get3A, %get3A_0, %get3A_1] : memref<2x1000x128xf32, #tpu.memory_space<vmem>>, vector<1x1000x128xf32>
    %get3A_3 = vector.shape_cast %get3A_2 : vector<1x1000x128xf32> to vector<1000x128xf32>
    %get3A_4 = arith.constant 1 : index
    %get3A_5 = arith.constant 0 : index
    %get3A_6 = arith.constant 0 : index
    %get3A_7 = vector.load %arg1[%get3A_4, %get3A_5, %get3A_6] : memref<2x1000x128xf32, #tpu.memory_space<vmem>>, vector<1x1000x128xf32>
    %get3A_8 = vector.shape_cast %get3A_7 : vector<1x1000x128xf32> to vector<1000x128xf32>
    %add3A = arith.addf %get3A_3, %get3A_8 : vector<1000x128xf32>
    %get3A_9 = arith.constant 0 : index
    %get3A_10 = arith.constant 0 : index
    %get3A_11 = vector.load %arg2[%get3A_9, %get3A_10] : memref<128x128xf32, #tpu.memory_space<vmem>>, vector<128x128xf32>
    %dot_general3A = arith.constant dense<0.000000e+00> : vector<1000x128xf32>
    %dot_general3A_12 = tpu.matmul %add3A, %get3A_11, %dot_general3A {dimension_numbers = #tpu.dot_dimension_numbers<[1], [0], [0], [1], [0, 0, 1, 1], [], []>, transpose_lhs_hint = false} : vector<1000x128xf32>, vector<128x128xf32>, vector<1000x128xf32> -> vector<1000x128xf32>
    %get3A_13 = arith.constant 0 : index
    %get3A_14 = arith.constant 0 : index
    %get3A_15 = vector.load %arg3[%get3A_13, %get3A_14] : memref<1x128xf32, #tpu.memory_space<vmem>>, vector<1x128xf32>
    %add3A_16 = vector.broadcast %get3A_15 : vector<1x128xf32> to vector<1000x128xf32>
    %add3A_17 = arith.addf %dot_general3A_12, %add3A_16 : vector<1000x128xf32>
    %max3A = arith.constant 0.000000e+00 : f32
    %max3A_18 = vector.broadcast %max3A : f32 to vector<1000x128xf32>
    %max3A_19 = arith.maximumf %add3A_17, %max3A_18 : vector<1000x128xf32>
    %swap3A = arith.constant 0 : index
    %swap3A_20 = arith.constant 0 : index
    %swap3A_21 = vector.load %arg4[%swap3A, %swap3A_20] : memref<1000x128xf32, #tpu.memory_space<vmem>>, vector<1000x128xf32>
    tpu.vector_store %arg4[%swap3A, %swap3A_20], %max3A_19 {strides = array<i32>} : memref<1000x128xf32, #tpu.memory_space<vmem>>, vector<1000x128xf32>,
    return
  }
  func.func @transform_0(%arg0: i32) -> (i32, i32, i32) {
    %c0_i32 = arith.constant 0 : i32
    %c0_i32_0 = arith.constant 0 : i32
    %c0_i32_1 = arith.constant 0 : i32
    return %c0_i32, %arg0, %c0_i32_0 : i32, i32, i32
  }
  func.func @transform_1(%arg0: i32) -> (i32, i32) {
    %c0_i32 = arith.constant 0 : i32
    %c0_i32_0 = arith.constant 0 : i32
    %c0_i32_1 = arith.constant 0 : i32
    return %c0_i32, %c0_i32_0 : i32, i32
  }
  func.func @transform_2(%arg0: i32) -> (i32, i32) {
    %c0_i32 = arith.constant 0 : i32
    %c0_i32_0 = arith.constant 0 : i32
    %c0_i32_1 = arith.constant 0 : i32
    return %c0_i32, %c0_i32_0 : i32, i32
  }
  func.func @transform_3(%arg0: i32) -> (i32, i32) {
    %c0_i32 = arith.constant 0 : i32
    %c0_i32_0 = arith.constant 0 : i32
    return %arg0, %c0_i32 : i32, i32
  }
}

module attributes {stable_mosaic.version = 14 : i64} {
  func.func @_dis_body(%arg0: memref<2x80x128xf32, #tpu.memory_space<vmem>>, %arg1: memref<80x128xf32, #tpu.memory_space<vmem>>) attributes {dimension_semantics = [], scalar_prefetch = 0 : i64, scratch_operands = 0 : i64, tpu.core_type = #tpu.core_type<tc>} {
    %get3A = arith.constant 0 : index
    %get3A_0 = arith.constant 0 : index
    %get3A_1 = arith.constant 0 : index
    %get3A_2 = vector.load %arg0[%get3A, %get3A_0, %get3A_1] : memref<2x80x128xf32, #tpu.memory_space<vmem>>, vector<1x80x128xf32>
    %get3A_3 = vector.shape_cast %get3A_2 : vector<1x80x128xf32> to vector<80x128xf32>
    %get3A_4 = arith.constant 1 : index
    %get3A_5 = arith.constant 0 : index
    %get3A_6 = arith.constant 0 : index
    %get3A_7 = vector.load %arg0[%get3A_4, %get3A_5, %get3A_6] : memref<2x80x128xf32, #tpu.memory_space<vmem>>, vector<1x80x128xf32>
    %get3A_8 = vector.shape_cast %get3A_7 : vector<1x80x128xf32> to vector<80x128xf32>
    %add3A = arith.addf %get3A_3, %get3A_8 : vector<80x128xf32>
    %gt3A = arith.constant 0.000000e+00 : f32
    %gt3A_9 = vector.broadcast %gt3A : f32 to vector<80x128xf32>
    %gt3A_10 = arith.cmpf ogt, %add3A, %gt3A_9 : vector<80x128xf32>
    %gt3A_11 = arith.constant 0.000000e+00 : f32
    %gt3A_12 = vector.broadcast %gt3A_11 : f32 to vector<80x128xf32>
    %gt3A_13 = arith.cmpf ogt, %add3A, %gt3A_12 : vector<80x128xf32>
    %jit3A = arith.constant 1.000000e+00 : f32
    %broadcast_in_dim3A = vector.broadcast %jit3A : f32 to vector<80x128xf32>
    %select_n3A = arith.select %gt3A_13, %add3A, %broadcast_in_dim3A : vector<80x128xi1>, vector<80x128xf32>
    %rsqrt3A = math.rsqrt %select_n3A : vector<80x128xf32>
    %jit3A_14 = arith.constant 0.000000e+00 : f32
    %broadcast_in_dim3A_15 = vector.broadcast %jit3A_14 : f32 to vector<80x128xf32>
    %select_n3A_16 = arith.select %gt3A_10, %rsqrt3A, %broadcast_in_dim3A_15 : vector<80x128xi1>, vector<80x128xf32>
    %swap3A = arith.constant 0 : index
    %swap3A_17 = arith.constant 0 : index
    %swap3A_18 = vector.load %arg1[%swap3A, %swap3A_17] : memref<80x128xf32, #tpu.memory_space<vmem>>, vector<80x128xf32>
    tpu.vector_store %arg1[%swap3A, %swap3A_17], %select_n3A_16 {strides = array<i32>} : memref<80x128xf32, #tpu.memory_space<vmem>>, vector<80x128xf32>,
    return
  }
}

</mosaic_0001>

<sc_bundles>
// kernel: kernel.6.cloned.1.call-start
scs
__scs_entry_jumppad:
0x0: {  	(pc) =	sbr.rel $0x88, $3  }
0x1: {  	(tag) =	ssettag $0x0;
	lr =	simm.s32 $0x1  }
0x2: {  	[smem:$0x3F9C] =	sst lr;
	_ =	strace $0xD0000000  }
0x3: {  	_ = 	snop  }
0x4: {  	_ = 	snop  }
0x5: {  	_ = 	snop  }
0x6: {  	_ = 	snop  }
0x7: {  	_ = 	snop  }
__scs_overlays_trampoline_lowered:
0x8: {  	[smem:$0x3FAB] =	sst s0  }
0x9: {  	[smem:$0x3FAC] =	sst s1  }
0xa: {  	[smem:$0x3FAD] =	sst s2  }
0xb: {  	[smem:$0x3FAE] =	sst s3  }
0xc: {  	[smem:$0x3FAF] =	sst s4  }
0xd: {  	[smem:$0x3FB0] =	sst s5  }
0xe: {  	[smem:$0x3FB1] =	sst s6  }
0xf: {  	[smem:$0x3FB2] =	sst s7  }
0x10: {  	[smem:$0x3FB3] =	sst s8  }
0x11: {  	[smem:$0x3FB4] =	sst s9;
	s0 =	simm.s32 @!p0 $0x0  }
0x12: {  	s1 =	sld [smem:$0x3F9A];
	s0 =	simm.s32 @p0 $0x1  }
0x13: {  	[smem:$0x3FB5] =	sst s0;
	s0 =	simm.s32 @!p1 $0x0  }
0x14: {  	s2 =	sld [smem:$0x3F99];
	s0 =	simm.s32 @p1 $0x1  }
0x15: {  	[smem:$0x3FB6] =	sst s0;
	s0 =	simm.s32 @!p2 $0x0  }
0x16: {  	s3 =	sld [smem:$0x3FDB];
	s0 =	simm.s32 @p2 $0x1  }
0x17: {  	s4 =	simm.s32 $0x1BF5;
	[smem:$0x3FB8] =	sst s0  }
0x18: {  	s0 =	sld [smem:$0x3F9B];
	_ =	swait.ge [sflag:s4], $0x0  }
0x19: {  	s7 =	sld [smem:$0x3F9C]  }
0x1a: {  	s8 =	sadd.s32 $0xFFFFE003, lr  }
0x1b: {  	s9 =	sadd.s32 $0xFFFFFEF7, lr;
	s5 =	simm.s32 $0xFFFFFFFF;
	p2 =	slt.u32 s8, $0xFFFFF086  }
0x1c: {  	p1 =	slt.u32 s9, $0xF7A;
	s5 =	simm.s32 @!p2 $0x0  }
0x1d: {  	s5 =	simm.s32 @p1 $0x1;
	p0 =	seq.s32 s7, s2  }
0x1e: {  	s7 =	smul.u32 @!p0 $0xF7A, s2;
	p2 =	seq.s32 @!p0 s5, $0x0  }
0x1f: {  	s9 =	smul.u32 $0xF7A, s1;
	s8 =	simm.s32 @!p0 $0x1BF5;
	p2 =	por !p2, p0  }
0x20: {  	[sflag:s8] =	ssyncset.s32 @!p0 $0xFFFFF086;
	s6 =	sadd.s32 @!p0 s3, s7;
	s7 =	simm.s32 @!p0 $0x108  }
0x21: {  	s3 =	sadd.s32 s3, s9;
	s6 =	sadd.s32 @!p0 $0x88, s6;
	s7 =	simm.s32 @p2 $0x1082  }
0x22: {  	[simem:s7], [sflag:s8] =	dma.local @!p0 [hbm:s6], $0xF7A  }
0x23: {  	s9 =	sor.u32 $0xD0000000, s2;
	s6 =	simm.s32 $0x108;
	_ =	swait.ge @!p0 [sflag:s8], $0x0  }
0x24: {  	s3 =	sadd.s32 $0x88, s3;
	s6 =	simm.s32 @!p1 $0x1082;
	[sflag:s4] =	ssyncset.s32 $0xFFFFF086  }
0x25: {  	[simem:s6], [sflag:s4] =	dma.local [hbm:s3], $0xF7A  }
0x26: {  	[smem:$0x3F9C] =	sst s1;
	(tag) =	ssettag s2;
	_ =	strace s9  }
0x27: {  	s1 =	sld [smem:$0x3FAC]  }
0x28: {  	s2 =	sld [smem:$0x3FAD]  }
0x29: {  	s4 =	sld [smem:$0x3FAF]  }
0x2a: {  	p0 =	seq.s32 s5, $0x0;
	s5 =	sld [smem:$0x3FB0]  }
0x2b: {  	s6 =	sld [smem:$0x3FB1]  }
0x2c: {  	s7 =	sld [smem:$0x3FB2]  }
0x2d: {  	s3 =	simm.s32 $0x108;
	s8 =	sld [smem:$0x3FB3]  }
0x2e: {  	s3 =	simm.s32 @!p0 $0x1082;
	s9 =	sld [smem:$0x3FB4]  }
0x2f: {  	lr =	sadd.s32 s0, s3;
	s0 =	sld [smem:$0x3FAB]  }
0x30: {  	s3 =	sld [smem:$0x3FAE]  }
0x31: {  	[smem:$0x3FB7] =	sst s10  }
0x32: {  	s10 =	sld [smem:$0x3FB5];
	_ =	sdelay $0x3  }
0x33: {  	p0 =	seq.s32 s10, $0x1;
	s10 =	sld [smem:$0x3FB7];
	_ =	sdelay $0x3  }
0x34: {  	[smem:$0x3FB7] =	sst s10  }
0x35: {  	s10 =	sld [smem:$0x3FB6];
	_ =	sdelay $0x3  }
0x36: {  	p1 =	seq.s32 s10, $0x1;
	s10 =	sld [smem:$0x3FB7];
	_ =	sdelay $0x3  }
0x37: {  	[smem:$0x3FB7] =	sst s10  }
0x38: {  	s10 =	sld [smem:$0x3FB8]  }
0x39: {  	_ = 	snop;
	(pc) =	sbr.ind lr, $3  }
0x3a: {  	_ = 	snop  }
0x3b: {  	_ = 	snop  }
0x3c: {  	p2 =	seq.s32 s10, $0x1;
	s10 =	sld [smem:$0x3FB7]  }
0x3d: {  	_ =	shalt  }
0x3e: {  	_ =	shalt  }
0x3f: {  	_ =	shalt  }
0x40: {  	_ =	shalt  }
0x41: {  	_ =	shalt  }
0x42: {  	_ =	shalt  }
0x43: {  	_ =	shalt  }
0x44: {  	_ =	shalt  }
0x45: {  	_ =	shalt  }
0x46: {  	_ =	shalt  }
0x47: {  	_ =	shalt  }
0x48: {  	_ =	shalt  }
0x49: {  	_ =	shalt  }
0x4a: {  	_ =	shalt  }
0x4b: {  	_ =	shalt  }
0x4c: {  	_ =	shalt  }
0x4d: {  	_ =	shalt  }
0x4e: {  	_ =	shalt  }
0x4f: {  	_ =	shalt  }
0x50: {  	_ =	shalt  }
0x51: {  	_ =	shalt  }
0x52: {  	_ =	shalt  }
0x53: {  	_ =	shalt  }
0x54: {  	_ =	shalt  }
0x55: {  	_ =	shalt  }
0x56: {  	_ =	shalt  }
0x57: {  	_ =	shalt  }
0x58: {  	_ =	shalt  }
0x59: {  	_ =	shalt  }
0x5a: {  	_ =	shalt  }
0x5b: {  	_ =	shalt  }
0x5c: {  	_ =	shalt  }
0x5d: {  	_ =	shalt  }
0x5e: {  	_ =	shalt  }
0x5f: {  	_ =	shalt  }
0x60: {  	_ =	shalt  }
0x61: {  	_ =	shalt  }
0x62: {  	_ =	shalt  }
0x63: {  	_ =	shalt  }
0x64: {  	_ =	shalt  }
0x65: {  	_ =	shalt  }
0x66: {  	_ =	shalt  }
0x67: {  	_ =	shalt  }
0x68: {  	_ =	shalt  }
0x69: {  	_ =	shalt  }
0x6a: {  	_ =	shalt  }
0x6b: {  	_ =	shalt  }
0x6c: {  	_ =	shalt  }
0x6d: {  	_ =	shalt  }
0x6e: {  	_ =	shalt  }
0x6f: {  	_ =	shalt  }
0x70: {  	_ =	shalt  }
0x71: {  	_ =	shalt  }
0x72: {  	_ =	shalt  }
0x73: {  	_ =	shalt  }
0x74: {  	_ =	shalt  }
0x75: {  	_ =	shalt  }
0x76: {  	_ =	shalt  }
0x77: {  	_ =	shalt  }
0x78: {  	_ =	shalt  }
0x79: {  	_ =	shalt  }
0x7a: {  	_ =	shalt  }
0x7b: {  	_ =	shalt  }
0x7c: {  	_ =	shalt  }
0x7d: {  	_ =	shalt  }
0x7e: {  	_ =	shalt  }
0x7f: {  	_ =	shalt  }
0x80: {  	_ =	shalt  }
0x81: {  	_ =	shalt  }
0x82: {  	_ =	shalt  }
0x83: {  	_ =	shalt  }
0x84: {  	_ =	shalt  }
0x85: {  	_ =	shalt  }
0x86: {  	_ =	shalt  }
0x87: {  	_ =	shalt  }
.Lfunc_end0:
.L_simem_size_0:
called_computation_lowered:
.L_overlay_start_0:
0x88: {  	s2 =	sld [smem:$0x3FD9]  }
0x89: {  	s3 =	sld [smem:$0x3FFE];
	_ =	sdelay $0x1  }
0x8a: {  	s1 =	srdreg.scid  }
0x8b: {  	s0 =	sand.u32 $0x1, s1  }
0x8c: {  	s17 =	sshll.u32 s0, $0xA;
	s2 =	sadd.s32 s3, s2  }
0x8d: {  	s2 =	sadd.s32 s2, s17  }
0x8e: {  	[smem:$0x3FC3] =	sst s2  }
0x8f: {  	_ = 	snop  }
0x90: {  	s2 =	sld [smem:$0x3FD0];
	(tm) =	ssettm $0x1  }
0x91: {  	s18 =	sld [smem:$0x3FFB];
	_ =	sdelay $0x3  }
0x92: {  	_ =	strace s18  }
0x93: {  	s3 =	sld [smem:$0x3FFC];
	_ =	sdelay $0x3  }
0x94: {  	_ =	strace s3  }
0x95: {  	s3 =	sld [smem:$0x3FFD];
	_ =	sdelay $0x3  }
0x96: {  	_ =	strace s3  }
0x97: {  	_ =	strace $0x8FFFFFFF  }
0x98: {  	s19 =	sld [smem:$0x3FDB];
	_ =	sdelay $0x1  }
0x99: {  	s4 =	simm.s32 $_scs_section_size  }
0x9a: {  	s5 =	simm.s32 $_size__tile_overlayer_lowered;
	s6 =	simm.s32 $_tile_overlayer_lowered  }
0x9b: {  	s22 =	simm.s32 $0x1BFF;
	s21 =	sshll.u32 s6, $0x1;
	s3 =	sadd.s32 s4, s19  }
0x9c: {  	s7 =	simm.s32 $0x0;
	s20 =	sshll.u32 s5, $0x1;
	s5 =	sadd.s32 s21, s3  }
0x9d: {  	[timem:s7], [sflag:s22] =	dma.local [hbm:s5], s20  }
0x9e: {  	_ =	swait.ge [sflag:s22], s20  }
0x9f: {  	s4 =	ssub.s32 $0x0, s20;
	[sflag:s22] =	ssyncset.done $0x0  }
0xa0: {  	[sflag:s22] =	ssyncadd.s32 s4;
	_ =	sdelay $0x1  }
0xa1: {  	s23 =	simm.s32 $0x1B8B  }
0xa2: {  	_ =	swait.ge [sflag:s23], $0x1  }
0xa3: {  	[sflag:s23] =	ssyncset.done $0x0  }
0xa4: {  	s25 =	simm.s32 $0x1B8E;
	s24 =	sld [smem:$0x3FFE];
	[sflag:s23] =	ssyncadd.s32 $0xFFFFFFFF  }
0xa5: {  	s26 =	simm.s32 $execute0_lowered;
	[smem:$0x3FD2] =	sst s25  }
0xa6: {  	s5 =	sshll.u32 s26, $0x1;
	_ =	strace $0x80000046;
	[dreg:$0x1] =	wrdreg $0xFFFFFFFF  }
0xa7: {  	s28 =	simm.s32 $_size_execute0_lowered;
	s3 =	sadd.s32 s3, s5;
	[dreg:$0x0] =	wrdreg $0x0  }
0xa8: {  	s5 =	sshll.u32 s28, $0x1;
	[dreg:$0x2] =	wrdreg s3  }
0xa9: {  	[dreg:$0x3] =	wrdreg s5  }
0xaa: {  	[dreg:$0x4] =	wrdreg $0xC0  }
0xab: {  	_ =	task [dreg:s7], $0x5FFFF  }
0xac: {  	[dreg:$0x1] =	wrdreg $0xFFFFFFFF  }
0xad: {  	[dreg:$0x0] =	wrdreg $0x60  }
0xae: {  	[dreg:$0x2] =	wrdreg s2  }
0xaf: {  	[dreg:$0x3] =	wrdreg s24  }
0xb0: {  	[dreg:$0x4] =	wrdreg $0x0  }
0xb1: {  	[dreg:$0x5] =	wrdreg $0x9  }
0xb2: {  	_ =	task.clear_ibuf [dreg:s7], $0x6FFFF;
	_ =	strace $0x90000046  }
0xb3: {  	s29 =	simm.s32 $0x9;
	_ =	strace $0x80000048  }
0xb4: {  	_ =	swait.ge [sflag:s29], $0x1  }
0xb5: {  	[sflag:s29] =	ssyncadd.s32 $0xFFFFFFFF  }
0xb6: {  	_ =	strace $0x90000048  }
0xb7: {  	_ =	sfence  }
0xb8: {  	s30 =	sld [smem:$0x0];
	_ =	sdelay $0x2  }
0xb9: {  	s31 =	sshll.u32 s1, $0xD;
	s1 =	sshrl.u32 s1, $0x2  }
0xba: {  	s3 =	sand.u32 $0x4000, s31;
	s1 =	sadd.s32 s1, s30  }
0xbb: {  	s0 =	sor.u32 s3, s0;
	s1 =	sshll.u32 s1, $0x11  }
0xbc: {  	s0 =	sor.u32 s1, s0  }
0xbd: {  	s0 =	sadd.s32 $0x8F2B, s0  }
0xbe: {  	[sflag:s0] =	ssyncadd.remote.s32 $0x1  }
0xbf: {  	_ =	sfence.sel $0xFFFF  }
0xc0: {  	[dreg:$0x0] =	wrdreg $0xFFFFFFFF;
	(pc) =	sbr.abs _section_cstart, $3  }
0xc1: {  	[dreg:$0x1] =	wrdreg $0xFFFFFFFF  }
0xc2: {  	_ =	task.clear_ibuf [dreg:s7], $0x2FFFF;
	_ =	strace $0x9FFFFFFF  }
0xc3: {  	(tm) =	ssettm $0x7FFFFFFF  }
tec
execute0_lowered:
.L_overlay_start_1:
0x0: {  	(tag) =	ssettag $0x1  }
0x1: {  	s5 =	rddreg [dreg:$0x0]  }
0x2: {  	s6 =	rddreg [dreg:$0x1]  }
0x3: {  	s0 =	srdreg.scid;
	s2 =	rddreg [dreg:$0x2]  }
0x4: {  	s3 =	simm.s32 $0x0;
	s12 =	simm.s32 $0x2E80;
	s13 =	simm.s32 $0x80  }
0x5: {  	s16 =	simm.s32 $0x20;
	s17 =	simm.s32 $0x10;
	s18 =	simm.s32 $0x0  }
0x6: {  	s4 =	sand.u32 $0x1, s0;
	s0 =	stileid.u32;
	[smem:$0x7FF] =	sst s3  }
0x7: {  	s1 =	sshll.u32 s4, $0x4;
	s8 =	smul.u32 $0x500, s0;
	s9 =	sshll.u32 s4, $0x7  }
0x8: {  	s10 =	smul.u32 $0xA00, s0;
	s4 =	ssub.s32 $0x2, s4;
	s14 =	sshll.u32 s0, $0x6  }
0x9: {  	s7 =	sor.u32 s0, s1;
	s1 =	rddreg [dreg:$0x3];
	_ =	strace $0x80000047  }
0xa: {  	s31 =	sshrl.u32 s4, $0x1;
	s14 =	sor.u32 $0x1C01, s14;
	s7 =	smul.u32 $0x580, s7  }
0xb: {  	s8 =	sor.u32 s9, s8;
	s10 =	sshrl.u32 s10, $0x2;
	s9 =	ssub.s32 s4, s31  }
0xc: {  	s8 =	sshrl.u32 s8, $0x3;
	s4 =	sadd.s32 s10, s2;
	s10 =	simm.s32 $0x1  }
0xd: {  	s11 =	sadd.s32 s7, s6;
	s8 =	sadd.s32 s8, s6;
	s5 =	sadd.s32 s5, s7  }
0xe: {  	s15 =	sshrl.u32 s4, $0x3;
	s6 =	sadd.s32 $0xA00, s11;
	s7 =	sadd.s32 $0xBA00, s8  }
0xf: {  	v0 =	vimm.f32 $0.0e+00;
	s8 =	smax.u32 s9, $0x1;
	s9 =	simm.s32 $0x5A80;
	s11 =	simm.s32 $0x280  }
.LBB2_1:
0x10: {  	[tilespmem:$0x5A80] =	vst v0  }
0x11: {  	[tilespmem:$0x5A90] =	vst v0  }
0x12: {  	[tilespmem:$0x5AA0] =	vst v0  }
0x13: {  	[tilespmem:$0x5AB0] =	vst v0  }
0x14: {  	[tilespmem:$0x5AC0] =	vst v0  }
0x15: {  	[tilespmem:$0x5AD0] =	vst v0  }
0x16: {  	[tilespmem:$0x5AE0] =	vst v0  }
0x17: {  	[tilespmem:$0x5AF0] =	vst v0  }
0x18: {  	[tilespmem:$0x5B00] =	vst v0  }
0x19: {  	[tilespmem:$0x5B10] =	vst v0  }
0x1a: {  	[tilespmem:$0x5B20] =	vst v0  }
0x1b: {  	[tilespmem:$0x5B30] =	vst v0  }
0x1c: {  	[tilespmem:$0x5B40] =	vst v0  }
0x1d: {  	[tilespmem:$0x5B50] =	vst v0  }
0x1e: {  	[tilespmem:$0x5B60] =	vst v0  }
0x1f: {  	[tilespmem:$0x5B70] =	vst v0  }
0x20: {  	[tilespmem:$0x5B80] =	vst v0  }
0x21: {  	[tilespmem:$0x5B90] =	vst v0  }
0x22: {  	[tilespmem:$0x5BA0] =	vst v0  }
0x23: {  	[tilespmem:$0x5BB0] =	vst v0  }
0x24: {  	[tilespmem:$0x5BC0] =	vst v0  }
0x25: {  	[tilespmem:$0x5BD0] =	vst v0  }
0x26: {  	[tilespmem:$0x5BE0] =	vst v0  }
0x27: {  	[tilespmem:$0x5BF0] =	vst v0  }
0x28: {  	[tilespmem:$0x5C00] =	vst v0  }
0x29: {  	[tilespmem:$0x5C10] =	vst v0  }
0x2a: {  	[tilespmem:$0x5C20] =	vst v0  }
0x2b: {  	[tilespmem:$0x5C30] =	vst v0  }
0x2c: {  	[tilespmem:$0x5C40] =	vst v0  }
0x2d: {  	[tilespmem:$0x5C50] =	vst v0  }
0x2e: {  	[tilespmem:$0x5C60] =	vst v0  }
0x2f: {  	[tilespmem:$0x5C70] =	vst v0  }
0x30: {  	[tilespmem:$0x5C80] =	vst v0  }
0x31: {  	[tilespmem:$0x5C90] =	vst v0  }
0x32: {  	[tilespmem:$0x5CA0] =	vst v0  }
0x33: {  	[tilespmem:$0x5CB0] =	vst v0  }
0x34: {  	[tilespmem:$0x5CC0] =	vst v0  }
0x35: {  	[tilespmem:$0x5CD0] =	vst v0  }
0x36: {  	[tilespmem:$0x5CE0] =	vst v0  }
0x37: {  	[tilespmem:$0x5CF0] =	vst v0  }
0x38: {  	[spmem:s4] =	stream.linear.scatter [tilespmem:s9], [sflag:$0x1], $0x280, $0x38;
	[tilespmem:$0x5D00] =	vst v63  }
0x39: {  	_ =	swait.ge [sflag:s10], $0x280  }
0x3a: {  	[sflag:s10] =	ssyncset.done $0x0  }
0x3b: {  	[sflag:s10] =	ssyncadd.s32 $0xFFFFFD80  }
0x3c: {  	[tilespmem:s11], [sflag:$0x1] =	stream.linear.gather [hbm4b:s5+s3], $0x2880, $0x38;
	[tilespmem:$0x5D00] =	vst v63  }
0x3d: {  	_ =	swait.ge [sflag:s10], $0x2880  }
0x3e: {  	[sflag:s10] =	ssyncset.done $0x0  }
0x3f: {  	[sflag:s10] =	ssyncadd.s32 $0xFFFFD780  }
0x40: {  	[tilespmem:s12], [sflag:$0x1] =	stream.linear.gather [hbm4b:s6+s3], $0x2880, $0x38;
	[tilespmem:$0x5D00] =	vst v63  }
0x41: {  	_ =	swait.ge [sflag:s10], $0x2880  }
0x42: {  	[sflag:s10] =	ssyncset.done $0x0  }
0x43: {  	[sflag:s10] =	ssyncadd.s32 $0xFFFFD780  }
0x44: {  	s19 =	simm.s32 $0x2E80;
	s20 =	simm.s32 $0x280;
	[bflag:$0x0] =	sbarrier.arrive $0xFFFF  }
0x45: {  	[spmem:s2] =	stream.indirect.scatter.add.f32 [tilespmem:s19], [sflag:$0x1], $0x1, s20, s13, $0xb8;
	[tilespmem:$0x5D00] =	vst v63  }
0x46: {  	s19 =	simm.s32 $0x200;
	_ =	swait.ge [sflag:s10], $0x80  }
.LBB2_2:
0x47: {  	s20 =	sshra.s32 s19, $0x2  }
0x48: {  	[sflag:s10] =	ssyncset.done $0x0;
	p0 =	sne.s32 s19, $0xA000;
	s21 =	sadd.s32 $0x2E80, s20  }
.Ltmp0:
0x49: {  	s20 =	sadd.s32 $0x280, s20;
	[sflag:s10] =	ssyncadd.s32 $0xFFFFFF80;
	(pc) =	sbr.rel @p0 .LBB2_2-.Ltmp0, $3  }
0x4a: {  	[spmem:s2] =	stream.indirect.scatter.add.f32 [tilespmem:s21], [sflag:$0x1], $0x1, s20, s13, $0xb8;
	[tilespmem:$0x5D00] =	vst v63  }
0x4b: {  	s19 =	sadd.s32 $0x200, s19;
	_ =	sdelay $0x1  }
0x4c: {  	_ =	swait.ge [sflag:s10], $0x80  }
0x4d: {  	[sflag:s10] =	ssyncset.done $0x0;
	s18 =	sadd.s32 $0x1, s18  }
0x4e: {  	[sflag:s10] =	ssyncadd.s32 $0xFFFFFF80;
	p0 =	sne.s32 s18, s8  }
.Ltmp1:
0x4f: {  	[bflag:$0x0] =	sbarrier.arrive $0xFFFF;
	(pc) =	sbr.rel @p0 .LBB2_1-.Ltmp1, $4  }
0x50: {  	[hbm:s7@s16], [sflag:s14] =	dma.strided [spmem:s15@s17], $0x50, s10, $0x10   }
0x51: {  	_ =	swait.ge [sflag:s10], $0x50  }
0x52: {  	[sflag:s10] =	ssyncset.done $0x0  }
0x53: {  	[sflag:s10] =	ssyncadd.s32 $0xFFFFFFB0  }
0x54: {  	_ =	sfence.sel $0x180000  }
0x55: {  	[bflag:$0x0] =	sbarrier.arrive $0xFFFF  }
0x56: {  	p0 =	sne.s32 s0, $0x0;
	_ =	strace $0x90000047  }
0x57: {  	s0 =	sadd.s32 @!p0 $0x100000, s1;
	[bflag:$0x2] =	sbarrier.arrive $0xFFFF  }
0x58: {  	[sflag:s0] =	ssyncadd.tile.s32 @!p0 $0x1;
	_ =	shalt  }
.Lfunc_end2:
_tile_overlayer_lowered:
.L_overlay_start_2:
0x59: {  	(tag) =	ssettag $0x2  }
0x5a: {  	s0 =	rddreg [dreg:$0x0];
	s2 =	stileid.u32  }
0x5b: {  	s1 =	rddreg [dreg:$0x1];
	p0 =	sne.s32 s2, $0x0  }
0x5c: {  	s3 =	rddreg [dreg:$0x2];
	[bflag:$0x3] =	sbarrier.arrive $0xFFFF;
	s2 =	simm.s32 @!p0 $0x1C01  }
0x5d: {  	[timem:s3], [sflag:s2] =	dma.local @!p0 [hbm:s0], s1  }
0x5e: {  	s0 =	simm.s32 @!p0 $0x1  }
0x5f: {  	_ =	swait.ge @!p0 [sflag:s0], s1  }
0x60: {  	s1 =	ssub.s32 @!p0 $0x0, s1;
	[sflag:s0] =	ssyncset.done @!p0 $0x0  }
0x61: {  	[sflag:s0] =	ssyncadd.s32 @!p0 s1  }
0x62: {  	[bflag:$0x3] =	sbarrier.arrive $0xFFFF  }
0x63: {  	_ =	shalt  }

// kernel: kernel.9.cloned.1.call-start
scs
__scs_entry_jumppad:
0x0: {  	(pc) =	sbr.rel $0x88, $3  }
0x1: {  	(tag) =	ssettag $0x0;
	lr =	simm.s32 $0x1  }
0x2: {  	[smem:$0x3F9C] =	sst lr;
	_ =	strace $0xD0000000  }
0x3: {  	_ = 	snop  }
0x4: {  	_ = 	snop  }
0x5: {  	_ = 	snop  }
0x6: {  	_ = 	snop  }
0x7: {  	_ = 	snop  }
__scs_overlays_trampoline_lowered:
0x8: {  	[smem:$0x3FAB] =	sst s0  }
0x9: {  	[smem:$0x3FAC] =	sst s1  }
0xa: {  	[smem:$0x3FAD] =	sst s2  }
0xb: {  	[smem:$0x3FAE] =	sst s3  }
0xc: {  	[smem:$0x3FAF] =	sst s4  }
0xd: {  	[smem:$0x3FB0] =	sst s5  }
0xe: {  	[smem:$0x3FB1] =	sst s6  }
0xf: {  	[smem:$0x3FB2] =	sst s7  }
0x10: {  	[smem:$0x3FB3] =	sst s8  }
0x11: {  	[smem:$0x3FB4] =	sst s9;
	s0 =	simm.s32 @!p0 $0x0  }
0x12: {  	s1 =	sld [smem:$0x3F9A];
	s0 =	simm.s32 @p0 $0x1  }
0x13: {  	[smem:$0x3FB5] =	sst s0;
	s0 =	simm.s32 @!p1 $0x0  }
0x14: {  	s2 =	sld [smem:$0x3F99];
	s0 =	simm.s32 @p1 $0x1  }
0x15: {  	[smem:$0x3FB6] =	sst s0;
	s0 =	simm.s32 @!p2 $0x0  }
0x16: {  	s3 =	sld [smem:$0x3FDB];
	s0 =	simm.s32 @p2 $0x1  }
0x17: {  	s4 =	simm.s32 $0x1BF5;
	[smem:$0x3FB8] =	sst s0  }
0x18: {  	s0 =	sld [smem:$0x3F9B];
	_ =	swait.ge [sflag:s4], $0x0  }
0x19: {  	s7 =	sld [smem:$0x3F9C]  }
0x1a: {  	s8 =	sadd.s32 $0xFFFFE003, lr  }
0x1b: {  	s9 =	sadd.s32 $0xFFFFFEF7, lr;
	s5 =	simm.s32 $0xFFFFFFFF;
	p2 =	slt.u32 s8, $0xFFFFF086  }
0x1c: {  	p1 =	slt.u32 s9, $0xF7A;
	s5 =	simm.s32 @!p2 $0x0  }
0x1d: {  	s5 =	simm.s32 @p1 $0x1;
	p0 =	seq.s32 s7, s2  }
0x1e: {  	s7 =	smul.u32 @!p0 $0xF7A, s2;
	p2 =	seq.s32 @!p0 s5, $0x0  }
0x1f: {  	s9 =	smul.u32 $0xF7A, s1;
	s8 =	simm.s32 @!p0 $0x1BF5;
	p2 =	por !p2, p0  }
0x20: {  	[sflag:s8] =	ssyncset.s32 @!p0 $0xFFFFF086;
	s6 =	sadd.s32 @!p0 s3, s7;
	s7 =	simm.s32 @!p0 $0x108  }
0x21: {  	s3 =	sadd.s32 s3, s9;
	s6 =	sadd.s32 @!p0 $0x88, s6;
	s7 =	simm.s32 @p2 $0x1082  }
0x22: {  	[simem:s7], [sflag:s8] =	dma.local @!p0 [hbm:s6], $0xF7A  }
0x23: {  	s9 =	sor.u32 $0xD0000000, s2;
	s6 =	simm.s32 $0x108;
	_ =	swait.ge @!p0 [sflag:s8], $0x0  }
0x24: {  	s3 =	sadd.s32 $0x88, s3;
	s6 =	simm.s32 @!p1 $0x1082;
	[sflag:s4] =	ssyncset.s32 $0xFFFFF086  }
0x25: {  	[simem:s6], [sflag:s4] =	dma.local [hbm:s3], $0xF7A  }
0x26: {  	[smem:$0x3F9C] =	sst s1;
	(tag) =	ssettag s2;
	_ =	strace s9  }
0x27: {  	s1 =	sld [smem:$0x3FAC]  }
0x28: {  	s2 =	sld [smem:$0x3FAD]  }
0x29: {  	s4 =	sld [smem:$0x3FAF]  }
0x2a: {  	p0 =	seq.s32 s5, $0x0;
	s5 =	sld [smem:$0x3FB0]  }
0x2b: {  	s6 =	sld [smem:$0x3FB1]  }
0x2c: {  	s7 =	sld [smem:$0x3FB2]  }
0x2d: {  	s3 =	simm.s32 $0x108;
	s8 =	sld [smem:$0x3FB3]  }
0x2e: {  	s3 =	simm.s32 @!p0 $0x1082;
	s9 =	sld [smem:$0x3FB4]  }
0x2f: {  	lr =	sadd.s32 s0, s3;
	s0 =	sld [smem:$0x3FAB]  }
0x30: {  	s3 =	sld [smem:$0x3FAE]  }
0x31: {  	[smem:$0x3FB7] =	sst s10  }
0x32: {  	s10 =	sld [smem:$0x3FB5];
	_ =	sdelay $0x3  }
0x33: {  	p0 =	seq.s32 s10, $0x1;
	s10 =	sld [smem:$0x3FB7];
	_ =	sdelay $0x3  }
0x34: {  	[smem:$0x3FB7] =	sst s10  }
0x35: {  	s10 =	sld [smem:$0x3FB6];
	_ =	sdelay $0x3  }
0x36: {  	p1 =	seq.s32 s10, $0x1;
	s10 =	sld [smem:$0x3FB7];
	_ =	sdelay $0x3  }
0x37: {  	[smem:$0x3FB7] =	sst s10  }
0x38: {  	s10 =	sld [smem:$0x3FB8]  }
0x39: {  	_ = 	snop;
	(pc) =	sbr.ind lr, $3  }
0x3a: {  	_ = 	snop  }
0x3b: {  	_ = 	snop  }
0x3c: {  	p2 =	seq.s32 s10, $0x1;
	s10 =	sld [smem:$0x3FB7]  }
0x3d: {  	_ =	shalt  }
0x3e: {  	_ =	shalt  }
0x3f: {  	_ =	shalt  }
0x40: {  	_ =	shalt  }
0x41: {  	_ =	shalt  }
0x42: {  	_ =	shalt  }
0x43: {  	_ =	shalt  }
0x44: {  	_ =	shalt  }
0x45: {  	_ =	shalt  }
0x46: {  	_ =	shalt  }
0x47: {  	_ =	shalt  }
0x48: {  	_ =	shalt  }
0x49: {  	_ =	shalt  }
0x4a: {  	_ =	shalt  }
0x4b: {  	_ =	shalt  }
0x4c: {  	_ =	shalt  }
0x4d: {  	_ =	shalt  }
0x4e: {  	_ =	shalt  }
0x4f: {  	_ =	shalt  }
0x50: {  	_ =	shalt  }
0x51: {  	_ =	shalt  }
0x52: {  	_ =	shalt  }
0x53: {  	_ =	shalt  }
0x54: {  	_ =	shalt  }
0x55: {  	_ =	shalt  }
0x56: {  	_ =	shalt  }
0x57: {  	_ =	shalt  }
0x58: {  	_ =	shalt  }
0x59: {  	_ =	shalt  }
0x5a: {  	_ =	shalt  }
0x5b: {  	_ =	shalt  }
0x5c: {  	_ =	shalt  }
0x5d: {  	_ =	shalt  }
0x5e: {  	_ =	shalt  }
0x5f: {  	_ =	shalt  }
0x60: {  	_ =	shalt  }
0x61: {  	_ =	shalt  }
0x62: {  	_ =	shalt  }
0x63: {  	_ =	shalt  }
0x64: {  	_ =	shalt  }
0x65: {  	_ =	shalt  }
0x66: {  	_ =	shalt  }
0x67: {  	_ =	shalt  }
0x68: {  	_ =	shalt  }
0x69: {  	_ =	shalt  }
0x6a: {  	_ =	shalt  }
0x6b: {  	_ =	shalt  }
0x6c: {  	_ =	shalt  }
0x6d: {  	_ =	shalt  }
0x6e: {  	_ =	shalt  }
0x6f: {  	_ =	shalt  }
0x70: {  	_ =	shalt  }
0x71: {  	_ =	shalt  }
0x72: {  	_ =	shalt  }
0x73: {  	_ =	shalt  }
0x74: {  	_ =	shalt  }
0x75: {  	_ =	shalt  }
0x76: {  	_ =	shalt  }
0x77: {  	_ =	shalt  }
0x78: {  	_ =	shalt  }
0x79: {  	_ =	shalt  }
0x7a: {  	_ =	shalt  }
0x7b: {  	_ =	shalt  }
0x7c: {  	_ =	shalt  }
0x7d: {  	_ =	shalt  }
0x7e: {  	_ =	shalt  }
0x7f: {  	_ =	shalt  }
0x80: {  	_ =	shalt  }
0x81: {  	_ =	shalt  }
0x82: {  	_ =	shalt  }
0x83: {  	_ =	shalt  }
0x84: {  	_ =	shalt  }
0x85: {  	_ =	shalt  }
0x86: {  	_ =	shalt  }
0x87: {  	_ =	shalt  }
.Lfunc_end0:
.L_simem_size_0:
called_computation.1_lowered:
.L_overlay_start_0:
0x88: {  	s2 =	sld [smem:$0x3FD9]  }
0x89: {  	s3 =	sld [smem:$0x3FFE];
	_ =	sdelay $0x1  }
0x8a: {  	s1 =	srdreg.scid  }
0x8b: {  	s0 =	sand.u32 $0x1, s1  }
0x8c: {  	s17 =	sshll.u32 s0, $0xA;
	s2 =	sadd.s32 s3, s2  }
0x8d: {  	s2 =	sadd.s32 s2, s17  }
0x8e: {  	[smem:$0x3FC3] =	sst s2  }
0x8f: {  	_ = 	snop  }
0x90: {  	s2 =	sld [smem:$0x3FC9]  }
0x91: {  	s18 =	sld [smem:$0x3FD0];
	(tm) =	ssettm $0x1  }
0x92: {  	s4 =	sld [smem:$0x3FFB];
	_ =	sdelay $0x3  }
0x93: {  	_ =	strace s4  }
0x94: {  	s4 =	sld [smem:$0x3FFC];
	_ =	sdelay $0x3  }
0x95: {  	_ =	strace s4  }
0x96: {  	s4 =	sld [smem:$0x3FFD];
	_ =	sdelay $0x3  }
0x97: {  	_ =	strace s4  }
0x98: {  	_ =	strace $0x8FFFFFFF  }
0x99: {  	s19 =	sld [smem:$0x3FDB];
	_ =	sdelay $0x1  }
0x9a: {  	s5 =	simm.s32 $_scs_section_size  }
0x9b: {  	s6 =	simm.s32 $_size__tile_overlayer_lowered;
	s7 =	simm.s32 $_tile_overlayer_lowered  }
0x9c: {  	s22 =	simm.s32 $0x1BFF;
	s21 =	sshll.u32 s7, $0x1;
	s4 =	sadd.s32 s5, s19  }
0x9d: {  	s8 =	simm.s32 $0x0;
	s20 =	sshll.u32 s6, $0x1;
	s6 =	sadd.s32 s21, s4  }
0x9e: {  	[timem:s8], [sflag:s22] =	dma.local [hbm:s6], s20  }
0x9f: {  	_ =	swait.ge [sflag:s22], s20  }
0xa0: {  	s5 =	ssub.s32 $0x0, s20;
	[sflag:s22] =	ssyncset.done $0x0  }
0xa1: {  	[sflag:s22] =	ssyncadd.s32 s5;
	_ =	sdelay $0x1  }
0xa2: {  	s23 =	simm.s32 $0x1B8B  }
0xa3: {  	_ =	swait.ge [sflag:s23], $0x1  }
0xa4: {  	[sflag:s23] =	ssyncset.done $0x0  }
0xa5: {  	s25 =	simm.s32 $0x1B8E;
	s24 =	sld [smem:$0x3FFE];
	[sflag:s23] =	ssyncadd.s32 $0xFFFFFFFF  }
0xa6: {  	s26 =	simm.s32 $execute0_lowered;
	[smem:$0x3FD2] =	sst s25  }
0xa7: {  	s6 =	sshll.u32 s26, $0x1;
	_ =	strace $0x80000049;
	[dreg:$0x1] =	wrdreg $0xFFFFFFFF  }
0xa8: {  	s28 =	simm.s32 $_size_execute0_lowered;
	s4 =	sadd.s32 s4, s6;
	[dreg:$0x0] =	wrdreg $0x0  }
0xa9: {  	s6 =	sshll.u32 s28, $0x1;
	[dreg:$0x2] =	wrdreg s4  }
0xaa: {  	[dreg:$0x3] =	wrdreg s6  }
0xab: {  	[dreg:$0x4] =	wrdreg $0xC0  }
0xac: {  	_ =	task [dreg:s8], $0x5FFFF  }
0xad: {  	[dreg:$0x1] =	wrdreg $0xFFFFFFFF  }
0xae: {  	[dreg:$0x0] =	wrdreg $0x60  }
0xaf: {  	[dreg:$0x2] =	wrdreg s2  }
0xb0: {  	[dreg:$0x3] =	wrdreg s24  }
0xb1: {  	[dreg:$0x4] =	wrdreg s18  }
0xb2: {  	[dreg:$0x5] =	wrdreg $0x0  }
0xb3: {  	[dreg:$0x6] =	wrdreg $0x9  }
0xb4: {  	_ =	task.clear_ibuf [dreg:s8], $0x7FFFF;
	_ =	strace $0x90000049  }
0xb5: {  	s29 =	simm.s32 $0x9;
	_ =	strace $0x8000004B  }
0xb6: {  	_ =	swait.ge [sflag:s29], $0x1  }
0xb7: {  	[sflag:s29] =	ssyncadd.s32 $0xFFFFFFFF  }
0xb8: {  	_ =	strace $0x9000004B  }
0xb9: {  	_ =	sfence  }
0xba: {  	s30 =	sld [smem:$0x0];
	_ =	sdelay $0x2  }
0xbb: {  	s31 =	sshll.u32 s1, $0xD;
	s1 =	sshrl.u32 s1, $0x2  }
0xbc: {  	s3 =	sand.u32 $0x4000, s31;
	s1 =	sadd.s32 s1, s30  }
0xbd: {  	s0 =	sor.u32 s3, s0;
	s1 =	sshll.u32 s1, $0x11  }
0xbe: {  	s0 =	sor.u32 s1, s0  }
0xbf: {  	s0 =	sadd.s32 $0x8F2B, s0  }
0xc0: {  	[sflag:s0] =	ssyncadd.remote.s32 $0x1  }
0xc1: {  	_ =	sfence.sel $0xFFFF  }
0xc2: {  	[dreg:$0x0] =	wrdreg $0xFFFFFFFF;
	(pc) =	sbr.abs _section_cstart, $3  }
0xc3: {  	[dreg:$0x1] =	wrdreg $0xFFFFFFFF  }
0xc4: {  	_ =	task.clear_ibuf [dreg:s8], $0x2FFFF;
	_ =	strace $0x9FFFFFFF  }
0xc5: {  	(tm) =	ssettm $0x7FFFFFFF  }
tec
execute0_lowered:
.L_overlay_start_1:
0x0: {  	(tag) =	ssettag $0x1  }
0x1: {  	s1 =	rddreg [dreg:$0x0]  }
0x2: {  	s0 =	rddreg [dreg:$0x1]  }
0x3: {  	s4 =	rddreg [dreg:$0x2]  }
0x4: {  	s2 =	rddreg [dreg:$0x3]  }
0x5: {  	s3 =	simm.s32 $0x0;
	s7 =	srdreg.scid;
	s21 =	stileid.u32  }
0x6: {  	s28 =	simm.s32 $0x16800;
	s29 =	simm.s32 $0x1A180;
	s30 =	simm.s32 $0x1EF00  }
0x7: {  	[smem:$0x7FF] =	sst s3;
	s5 =	sadd.s32 $0x16600, s0;
	s6 =	sadd.s32 $0xC400, s0  }
0x8: {  	s8 =	sadd.s32 $0xA00, s0;
	s7 =	sand.u32 $0x1, s7;
	s9 =	smul.u32 $0x50000, s21  }
0x9: {  	s0 =	sadd.s32 $0x20800, s0;
	s13 =	smul.u32 $0x14000, s21;
	_ =	strace $0x8000004A  }
0xa: {  	[dreg:$0x5] =	wrdreg s8;
	s18 =	ssub.s32 $0x2, s7;
	s11 =	sshll.u32 s7, $0x4  }
0xb: {  	s7 =	smul.u32 $0x140000, s7;
	s10 =	sshrl.u32 s18, $0x1;
	s14 =	sor.u32 s21, s11  }
0xc: {  	s19 =	sshrl.u32 s9, $0x2;
	s16 =	sadd.s32 $0x4000, s13;
	s17 =	sadd.s32 $0x8000, s13  }
0xd: {  	s21 =	sshll.u32 s21, $0x7;
	s15 =	ssub.s32 s18, s10;
	s8 =	sadd.s32 s19, s2  }
0xe: {  	s9 =	sadd.s32 s16, s2;
	s10 =	sadd.s32 s17, s2;
	s18 =	sadd.s32 $0xC000, s13  }
0xf: {  	s19 =	sadd.s32 $0x10000, s13;
	s20 =	smul.u32 $0x580, s14;
	s14 =	sshrl.u32 s14, $0x3  }
0x10: {  	s13 =	sadd.s32 s13, s7;
	s16 =	sadd.s32 s7, s16;
	s25 =	sadd.s32 s7, s17  }
0x11: {  	s11 =	sadd.s32 s18, s2;
	s12 =	sadd.s32 s19, s2;
	s22 =	sshrl.u32 s13, $0x3  }
0x12: {  	s23 =	sshrl.u32 s16, $0x3;
	s26 =	sadd.s32 s7, s18;
	s7 =	sadd.s32 s7, s19  }
0x13: {  	s4 =	sadd.s32 s4, s20;
	s20 =	smul.u32 $0x14400, s14;
	s14 =	sand.u32 $0x380, s21  }
0x14: {  	s24 =	sadd.s32 s0, s23;
	s31 =	sshrl.u32 s26, $0x3;
	s7 =	sshrl.u32 s7, $0x3  }
0x15: {  	s21 =	simm.s32 $0x1AF00;
	s23 =	simm.s32 $0x14000;
	[dreg:$0x6] =	wrdreg s4  }
0x16: {  	s26 =	simm.s32 $0x400;
	s4 =	sadd.s32 s0, s22;
	[dreg:$0x8] =	wrdreg s24  }
0x17: {  	s18 =	sadd.s32 s0, s31;
	s19 =	sadd.s32 s0, s7;
	s22 =	simm.s32 $0x1  }
0x18: {  	s14 =	sor.u32 s14, s20;
	[dreg:$0x7] =	wrdreg s4;
	s4 =	sshrl.u32 s25, $0x3  }
0x19: {  	v0 =	vimm.f32 $0.0e+00;
	s20 =	smax.u32 s15, $0x1;
	s25 =	simm.s32 $0x80;
	s17 =	sadd.s32 s0, s4  }
.LBB2_1:
0x1a: {  	s0 =	simm.s32 $0x0;
	s4 =	simm.s32 $0x200  }
.LBB2_2:
0x1b: {  	p0 =	sne.s32 s4, $0xFE00;
	[tilespmem:s0+$0x1AF70] =	vst v0  }
0x1c: {  	[tilespmem:s0+$0x1AF00] =	vst v0  }
0x1d: {  	[tilespmem:s0+$0x1AF10] =	vst v0  }
.Ltmp0:
0x1e: {  	[tilespmem:s0+$0x1AF20] =	vst v0;
	(pc) =	sbr.rel @p0 .LBB2_2-.Ltmp0, $4  }
0x1f: {  	[tilespmem:s0+$0x1AF30] =	vst v0  }
0x20: {  	[tilespmem:s0+$0x1AF40] =	vst v0  }
0x21: {  	[tilespmem:s0+$0x1AF50] =	vst v0  }
0x22: {  	[tilespmem:s0+$0x1AF60] =	vst v0;
	s0 =	sshra.s32 s4, $0x2;
	s4 =	sadd.s32 $0x200, s4  }
0x23: {  	[tilespmem:s0+$0x1AF70] =	vst v0  }
0x24: {  	[tilespmem:s0+$0x1AF00] =	vst v0  }
0x25: {  	[tilespmem:s0+$0x1AF10] =	vst v0  }
0x26: {  	[tilespmem:s0+$0x1AF20] =	vst v0  }
0x27: {  	[tilespmem:s0+$0x1AF30] =	vst v0  }
0x28: {  	[tilespmem:s0+$0x1AF40] =	vst v0  }
0x29: {  	[tilespmem:s0+$0x1AF50] =	vst v0  }
0x2a: {  	[tilespmem:s0+$0x1AF60] =	vst v0  }
0x2b: {  	[spmem:s8] =	stream.linear.scatter [tilespmem:s21], [sflag:$0x1], $0x4000, $0x38;
	[tilespmem:$0x1EF80] =	vst v63  }
0x2c: {  	_ =	swait.ge [sflag:s22], $0x4000  }
0x2d: {  	[sflag:s22] =	ssyncset.done $0x0  }
0x2e: {  	[sflag:s22] =	ssyncadd.s32 $0xFFFFC000  }
0x2f: {  	[spmem:s9] =	stream.linear.scatter [tilespmem:s21], [sflag:$0x1], $0x4000, $0x38;
	[tilespmem:$0x1EF80] =	vst v63  }
0x30: {  	_ =	swait.ge [sflag:s22], $0x4000  }
0x31: {  	[sflag:s22] =	ssyncset.done $0x0  }
0x32: {  	[sflag:s22] =	ssyncadd.s32 $0xFFFFC000  }
0x33: {  	[spmem:s10] =	stream.linear.scatter [tilespmem:s21], [sflag:$0x1], $0x4000, $0x38;
	[tilespmem:$0x1EF80] =	vst v63  }
0x34: {  	_ =	swait.ge [sflag:s22], $0x4000  }
0x35: {  	[sflag:s22] =	ssyncset.done $0x0  }
0x36: {  	[sflag:s22] =	ssyncadd.s32 $0xFFFFC000  }
0x37: {  	[spmem:s11] =	stream.linear.scatter [tilespmem:s21], [sflag:$0x1], $0x4000, $0x38;
	[tilespmem:$0x1EF80] =	vst v63  }
0x38: {  	_ =	swait.ge [sflag:s22], $0x4000  }
0x39: {  	[sflag:s22] =	ssyncset.done $0x0  }
0x3a: {  	[sflag:s22] =	ssyncadd.s32 $0xFFFFC000  }
0x3b: {  	[spmem:s12] =	stream.linear.scatter [tilespmem:s21], [sflag:$0x1], $0x4000, $0x38;
	[tilespmem:$0x1EF80] =	vst v63  }
0x3c: {  	_ =	swait.ge [sflag:s22], $0x4000  }
0x3d: {  	[sflag:s22] =	ssyncset.done $0x0  }
0x3e: {  	s31 =	simm.s32 $0x0;
	s16 =	rddreg [dreg:$0x5];
	[sflag:s22] =	ssyncadd.s32 $0xFFFFC000  }
0x3f: {  	[tilespmem:s23], [sflag:$0x1] =	stream.linear.gather [hbm4b:s16+s31], $0x2800, $0x38;
	[tilespmem:$0x1EF80] =	vst v63  }
0x40: {  	_ =	swait.ge [sflag:s22], $0x2800  }
0x41: {  	[sflag:s22] =	ssyncset.done $0x0  }
0x42: {  	s4 =	simm.s32 $0x17580;
	s24 =	rddreg [dreg:$0x6];
	[sflag:s22] =	ssyncadd.s32 $0xFFFFD800  }
0x43: {  	[tilespmem:s4], [sflag:$0x1] =	stream.linear.gather [hbm4b:s24+s31], $0x2880, $0x38;
	[tilespmem:$0x1EF80] =	vst v63  }
0x44: {  	_ =	swait.ge [sflag:s22], $0x2880  }
0x45: {  	[sflag:s22] =	ssyncset.done $0x0  }
0x46: {  	[sflag:s22] =	ssyncadd.s32 $0xFFFFD780  }
0x47: {  	[bflag:$0x0] =	sbarrier.arrive $0xFFFF  }
.LBB2_4:
0x48: {  	s0 =	smul.u32 $0x6C00, s31;
	_ =	sdelay $0x1  }
0x49: {  	s0 =	sadd.s32 s14, s0  }
0x4a: {  	s0 =	sshrl.u32 s0, $0x3  }
0x4b: {  	s4 =	sadd.s32 s5, s0  }
0x4c: {  	[tilespmem:s28], [sflag:$0x1] =	stream.strided.gather [hbm4b:s4+s25], $0xD80, s26, s25, $0x38;
	[tilespmem:$0x1EF80] =	vst v63  }
0x4d: {  	_ =	swait.ge [sflag:s22], $0xD80  }
0x4e: {  	[sflag:s22] =	ssyncset.done $0x0  }
0x4f: {  	s0 =	sadd.s32 s6, s0;
	[sflag:s22] =	ssyncadd.s32 $0xFFFFF280  }
0x50: {  	[tilespmem:s29], [sflag:$0x1] =	stream.strided.gather [hbm4b:s0+s25], $0xD80, s26, s25, $0x38;
	[tilespmem:$0x1EF80] =	vst v63  }
0x51: {  	_ =	swait.ge [sflag:s22], $0xD80  }
0x52: {  	[sflag:s22] =	ssyncset.done $0x0  }
0x53: {  	s4 =	simm.s32 $0x0;
	s0 =	smul.u32 $0x1B, s31;
	[sflag:s22] =	ssyncadd.s32 $0xFFFFF280  }
.LBB2_5:
0x54: {  	s24 =	sshll.u32 s4, $0x7  }
0x55: {  	s7 =	sand.u32 $0x3FFFFF80, s24  }
0x56: {  	s7 =	sadd.s32 $0x16800, s7  }
0x57: {  	[tilespmem:s21], [sflag:$0x1] =	stream.indirect.gather [hbm4b:s1+s25], $0x80, s7, s25, $0xb8;
	[tilespmem:$0x1EF80] =	vst v63  }
0x58: {  	_ =	swait.ge [sflag:s22], $0x4000  }
0x59: {  	[sflag:s22] =	ssyncset.done $0x0  }
0x5a: {  	s16 =	sadd.s32 s0, s4;
	[sflag:s22] =	ssyncadd.s32 $0xFFFFC000  }
0x5b: {  	s7 =	sshll.u32 s16, $0x7;
	v1 =	vld [tilespmem:s24+$0x16800]  }
0x5c: {  	s7 =	sand.u32 $0x3FFFFF80, s7  }
0x5d: {  	v2 =	vld [tilespmem:s7+$0x17580];
	_ =	sdelay $0x4  }
0x5e: {  	v3 =	vld [tilespmem:s24+$0x1A180]  }
0x5f: {  	v1 =	vld.idx.msk [tilespmem:v1+s23+$0x0], $0xffff;
	_ =	sdelay $0x1  }
0x60: {  	v2 =	vld.idx.msk [tilespmem:v2+s23+$0x0], $0xffff;
	_ =	sdelay $0x2  }
0x61: {  	v1 =	vmul.f32 v1, v3;
	_ =	sdelay $0x1  }
0x62: {  	v1 =	vmul.f32 v2, v1;
	_ =	sdelay $0x1  }
0x63: {  	[tilespmem:$0x1EF00] =	vst v1  }
0x64: {  	v1 =	vld [tilespmem:s24+$0x16810];
	_ =	sdelay $0x1  }
0x65: {  	v2 =	vld [tilespmem:s7+$0x17590];
	_ =	sdelay $0x4  }
0x66: {  	v3 =	vld [tilespmem:s24+$0x1A190]  }
0x67: {  	v1 =	vld.idx.msk [tilespmem:v1+s23+$0x0], $0xffff;
	_ =	sdelay $0x1  }
0x68: {  	v2 =	vld.idx.msk [tilespmem:v2+s23+$0x0], $0xffff;
	_ =	sdelay $0x2  }
0x69: {  	v1 =	vmul.f32 v1, v3;
	_ =	sdelay $0x1  }
0x6a: {  	v1 =	vmul.f32 v2, v1;
	_ =	sdelay $0x1  }
0x6b: {  	[tilespmem:$0x1EF10] =	vst v1  }
0x6c: {  	v1 =	vld [tilespmem:s24+$0x16820];
	_ =	sdelay $0x1  }
0x6d: {  	v2 =	vld [tilespmem:s7+$0x175A0];
	_ =	sdelay $0x4  }
0x6e: {  	v3 =	vld [tilespmem:s24+$0x1A1A0]  }
0x6f: {  	v1 =	vld.idx.msk [tilespmem:v1+s23+$0x0], $0xffff;
	_ =	sdelay $0x1  }
0x70: {  	v2 =	vld.idx.msk [tilespmem:v2+s23+$0x0], $0xffff;
	_ =	sdelay $0x2  }
0x71: {  	v1 =	vmul.f32 v1, v3;
	_ =	sdelay $0x1  }
0x72: {  	v1 =	vmul.f32 v2, v1;
	_ =	sdelay $0x1  }
0x73: {  	[tilespmem:$0x1EF20] =	vst v1  }
0x74: {  	v1 =	vld [tilespmem:s24+$0x16830];
	_ =	sdelay $0x1  }
0x75: {  	v2 =	vld [tilespmem:s7+$0x175B0];
	_ =	sdelay $0x4  }
0x76: {  	v3 =	vld [tilespmem:s24+$0x1A1B0]  }
0x77: {  	v1 =	vld.idx.msk [tilespmem:v1+s23+$0x0], $0xffff;
	_ =	sdelay $0x1  }
0x78: {  	v2 =	vld.idx.msk [tilespmem:v2+s23+$0x0], $0xffff;
	_ =	sdelay $0x2  }
0x79: {  	v1 =	vmul.f32 v1, v3;
	_ =	sdelay $0x1  }
0x7a: {  	v1 =	vmul.f32 v2, v1;
	_ =	sdelay $0x1  }
0x7b: {  	[tilespmem:$0x1EF30] =	vst v1  }
0x7c: {  	v1 =	vld [tilespmem:s24+$0x16840];
	_ =	sdelay $0x1  }
0x7d: {  	v2 =	vld [tilespmem:s7+$0x175C0];
	_ =	sdelay $0x4  }
0x7e: {  	v3 =	vld [tilespmem:s24+$0x1A1C0]  }
0x7f: {  	v1 =	vld.idx.msk [tilespmem:v1+s23+$0x0], $0xffff;
	_ =	sdelay $0x1  }
0x80: {  	v2 =	vld.idx.msk [tilespmem:v2+s23+$0x0], $0xffff;
	_ =	sdelay $0x2  }
0x81: {  	v1 =	vmul.f32 v1, v3;
	_ =	sdelay $0x1  }
0x82: {  	v1 =	vmul.f32 v2, v1;
	_ =	sdelay $0x1  }
0x83: {  	[tilespmem:$0x1EF40] =	vst v1  }
0x84: {  	v1 =	vld [tilespmem:s24+$0x16850];
	_ =	sdelay $0x1  }
0x85: {  	v2 =	vld [tilespmem:s7+$0x175D0];
	_ =	sdelay $0x4  }
0x86: {  	v3 =	vld [tilespmem:s24+$0x1A1D0]  }
0x87: {  	v1 =	vld.idx.msk [tilespmem:v1+s23+$0x0], $0xffff;
	_ =	sdelay $0x1  }
0x88: {  	v2 =	vld.idx.msk [tilespmem:v2+s23+$0x0], $0xffff;
	_ =	sdelay $0x2  }
0x89: {  	v1 =	vmul.f32 v1, v3;
	_ =	sdelay $0x1  }
0x8a: {  	v1 =	vmul.f32 v2, v1;
	_ =	sdelay $0x1  }
0x8b: {  	[tilespmem:$0x1EF50] =	vst v1  }
0x8c: {  	v1 =	vld [tilespmem:s24+$0x16860];
	_ =	sdelay $0x1  }
0x8d: {  	v2 =	vld [tilespmem:s7+$0x175E0];
	_ =	sdelay $0x4  }
0x8e: {  	v3 =	vld [tilespmem:s24+$0x1A1E0]  }
0x8f: {  	v1 =	vld.idx.msk [tilespmem:v1+s23+$0x0], $0xffff;
	_ =	sdelay $0x1  }
0x90: {  	v2 =	vld.idx.msk [tilespmem:v2+s23+$0x0], $0xffff;
	_ =	sdelay $0x2  }
0x91: {  	v1 =	vmul.f32 v1, v3;
	_ =	sdelay $0x1  }
0x92: {  	v1 =	vmul.f32 v2, v1;
	_ =	sdelay $0x1  }
0x93: {  	[tilespmem:$0x1EF60] =	vst v1  }
0x94: {  	v1 =	vld [tilespmem:s24+$0x16870];
	_ =	sdelay $0x1  }
0x95: {  	v2 =	vld [tilespmem:s7+$0x175F0];
	_ =	sdelay $0x4  }
0x96: {  	v3 =	vld [tilespmem:s24+$0x1A1F0]  }
0x97: {  	v1 =	vld.idx.msk [tilespmem:v1+s23+$0x0], $0xffff;
	_ =	sdelay $0x1  }
0x98: {  	v2 =	vld.idx.msk [tilespmem:v2+s23+$0x0], $0xffff;
	_ =	sdelay $0x2  }
0x99: {  	v1 =	vmul.f32 v1, v3;
	_ =	sdelay $0x1  }
0x9a: {  	s13 =	simm.s32 $0x0;
	v1 =	vmul.f32 v2, v1  }
0x9b: {  	v2 =	vmov s13  }
0x9c: {  	s24 =	simm.s32 $0x1AF40;
	[tilespmem:$0x1EF70] =	vst v1  }
0x9d: {  	v5 =	vld [tilespmem:s24+$0x30]  }
0x9e: {  	v8 =	vld [tilespmem:s24+$0x10]  }
0x9f: {  	v6 =	vld [tilespmem:s24+$0xFFFFFFC0]  }
0xa0: {  	v2 =	vld.idx.msk [tilespmem:v2+s30+$0x0], $0xffff  }
0xa1: {  	v10 =	vld [tilespmem:s24+$0xFFFFFFE0]  }
0xa2: {  	v1 =	vld [tilespmem:s24+$0xFFFFFFF0]  }
0xa3: {  	v3 =	vld [tilespmem:s24+$0x20]  }
0xa4: {  	v4 =	vld [tilespmem:s24+$0xFFFFFFD0]  }
0xa5: {  	v9 =	vmul.f32 v5, v2;
	v5 =	vld [tilespmem:s24+$0x0]  }
0xa6: {  	v7 =	vmul.f32 v6, v2  }
0xa7: {  	s15 =	simm.s32 $0x1AF40;
	s7 =	sadd.s32 $0x17580, s7;
	s13 =	simm.s32 $0x1;
	v6 =	vmul.f32 v10, v2;
	v8 =	vmul.f32 v8, v2  }
.LBB2_6:
0xa8: {  	p0 =	sne.s32 s13, $0x7F  }
0xa9: {  	v4 =	vmul.f32 v4, v2;
	v3 =	vmul.f32 v3, v2;
	[tilespmem:s24+$0x30] =	vst v9;
	s15 =	sadd.s32 $0x80, s15;
	s16 =	smov.u32 s13;
	s13 =	sadd.s32 $0x1, s13  }
0xaa: {  	[tilespmem:s24+$0xFFFFFFC0] =	vst v7;
	v7 =	vmul.f32 v1, v2;
	v2 =	vmul.f32 v5, v2  }
0xab: {  	[tilespmem:s24+$0x10] =	vst v8  }
0xac: {  	v5 =	vmov s16;
	[tilespmem:s24+$0xFFFFFFE0] =	vst v6  }
0xad: {  	v1 =	vld [tilespmem:s15+$0xFFFFFFF0];
	[tilespmem:s24+$0xFFFFFFF0] =	vst v7  }
0xae: {  	v6 =	vld [tilespmem:s15+$0x30];
	[tilespmem:s24+$0x0] =	vst v2  }
0xaf: {  	v8 =	vld [tilespmem:s15+$0x10];
	[tilespmem:s24+$0x20] =	vst v3  }
0xb0: {  	v7 =	vld [tilespmem:s15+$0xFFFFFFC0];
	[tilespmem:s24+$0xFFFFFFD0] =	vst v4;
	s24 =	smov.u32 s15  }
0xb1: {  	v2 =	vld.idx.msk [tilespmem:v5+s30+$0x0], $0xffff  }
0xb2: {  	v10 =	vld [tilespmem:s15+$0xFFFFFFE0]  }
0xb3: {  	v3 =	vld [tilespmem:s15+$0x20]  }
.Ltmp1:
0xb4: {  	v4 =	vld [tilespmem:s15+$0xFFFFFFD0];
	(pc) =	sbr.rel @p0 .LBB2_6-.Ltmp1, $3  }
0xb5: {  	v5 =	vld [tilespmem:s15+$0x0];
	_ =	sdelay $0x1  }
0xb6: {  	v7 =	vmul.f32 v7, v2;
	v9 =	vmul.f32 v6, v2  }
0xb7: {  	v8 =	vmul.f32 v8, v2;
	v6 =	vmul.f32 v10, v2  }
0xb8: {  	[tilespmem:s24+$0x30] =	vst v9  }
0xb9: {  	[tilespmem:s24+$0xFFFFFFC0] =	vst v7  }
0xba: {  	v1 =	vmul.f32 v1, v2;
	[tilespmem:s24+$0x10] =	vst v8  }
0xbb: {  	v3 =	vmul.f32 v3, v2;
	[tilespmem:s24+$0xFFFFFFE0] =	vst v6  }
0xbc: {  	v5 =	vmul.f32 v5, v2;
	[tilespmem:s24+$0xFFFFFFF0] =	vst v1  }
0xbd: {  	s4 =	sadd.s32 $0x1, s4;
	v1 =	vmul.f32 v4, v2;
	[tilespmem:s24+$0x20] =	vst v3  }
0xbe: {  	p0 =	sne.s32 s4, $0x1B;
	[tilespmem:s24+$0x0] =	vst v5  }
.Ltmp2:
0xbf: {  	[tilespmem:s24+$0xFFFFFFD0] =	vst v1;
	(pc) =	sbr.rel @p0 .LBB2_5-.Ltmp2, $4  }
0xc0: {  	[spmem:s2] =	stream.indirect.scatter.add.f32 [tilespmem:s21], [sflag:$0x1], $0x80, s7, s25, $0xb8;
	[tilespmem:$0x1EF80] =	vst v63  }
0xc1: {  	_ =	swait.ge [sflag:s22], $0x4000  }
0xc2: {  	[sflag:s22] =	ssyncset.done $0x0  }
0xc3: {  	[sflag:s22] =	ssyncadd.s32 $0xFFFFC000  }
0xc4: {  	s31 =	sadd.s32 $0x1, s31  }
0xc5: {  	p0 =	sne.s32 s31, $0x3  }
.Ltmp3:
0xc6: {  	_ = 	snop;
	(pc) =	sbr.rel @p0 .LBB2_4-.Ltmp3, $1  }
0xc7: {  	_ =	sdelay $0x3  }
0xc8: {  	s0 =	stileid.u32  }
0xc9: {  	[bflag:$0x0] =	sbarrier.arrive $0xFFFF;
	s0 =	sshll.u32 s0, $0x6  }
0xca: {  	s4 =	sshrl.u32 s8, $0x3;
	s7 =	rddreg [dreg:$0x7];
	s0 =	sor.u32 $0x1C01, s0  }
0xcb: {  	[hbm:s7], [sflag:s0] =	dma.local [spmem:s4], $0x800  }
0xcc: {  	_ =	swait.ge [sflag:s22], $0x800  }
0xcd: {  	[sflag:s22] =	ssyncset.done $0x0  }
0xce: {  	s13 =	sshrl.u32 s9, $0x3;
	s15 =	rddreg [dreg:$0x8];
	[sflag:s22] =	ssyncadd.s32 $0xFFFFF800  }
0xcf: {  	[hbm:s15], [sflag:s0] =	dma.local [spmem:s13], $0x800  }
0xd0: {  	_ =	swait.ge [sflag:s22], $0x800  }
0xd1: {  	[sflag:s22] =	ssyncset.done $0x0  }
0xd2: {  	s16 =	sshrl.u32 s10, $0x3;
	[sflag:s22] =	ssyncadd.s32 $0xFFFFF800  }
0xd3: {  	[hbm:s17], [sflag:s0] =	dma.local [spmem:s16], $0x800  }
0xd4: {  	_ =	swait.ge [sflag:s22], $0x800  }
0xd5: {  	[sflag:s22] =	ssyncset.done $0x0  }
0xd6: {  	s24 =	sshrl.u32 s11, $0x3;
	[sflag:s22] =	ssyncadd.s32 $0xFFFFF800  }
0xd7: {  	[hbm:s18], [sflag:s0] =	dma.local [spmem:s24], $0x800  }
0xd8: {  	s3 =	sadd.s32 $0x1, s3;
	_ =	swait.ge [sflag:s22], $0x800  }
0xd9: {  	p0 =	sne.s32 s3, s20;
	[sflag:s22] =	ssyncset.done $0x0  }
.Ltmp4:
0xda: {  	s31 =	sshrl.u32 s12, $0x3;
	[sflag:s22] =	ssyncadd.s32 $0xFFFFF800;
	(pc) =	sbr.rel @p0 .LBB2_1-.Ltmp4, $4  }
0xdb: {  	[hbm:s19], [sflag:s0] =	dma.local [spmem:s31], $0x800  }
0xdc: {  	_ =	swait.ge [sflag:s22], $0x800  }
0xdd: {  	[sflag:s22] =	ssyncset.done $0x0  }
0xde: {  	[sflag:s22] =	ssyncadd.s32 $0xFFFFF800  }
0xdf: {  	_ =	sfence.sel $0x180000  }
0xe0: {  	[bflag:$0x0] =	sbarrier.arrive $0xFFFF  }
0xe1: {  	_ =	strace $0x9000004A  }
0xe2: {  	s0 =	stileid.u32;
	[bflag:$0x2] =	sbarrier.arrive $0xFFFF  }
0xe3: {  	p0 =	sne.s32 s0, $0x0;
	s0 =	rddreg [dreg:$0x4]  }
0xe4: {  	s0 =	sadd.s32 @!p0 $0x100000, s0  }
0xe5: {  	[sflag:s0] =	ssyncadd.tile.s32 @!p0 $0x1;
	_ =	shalt  }
.Lfunc_end2:
_tile_overlayer_lowered:
.L_overlay_start_2:
0xe6: {  	(tag) =	ssettag $0x2  }
0xe7: {  	s0 =	rddreg [dreg:$0x0];
	s2 =	stileid.u32  }
0xe8: {  	s1 =	rddreg [dreg:$0x1];
	p0 =	sne.s32 s2, $0x0  }
0xe9: {  	s3 =	rddreg [dreg:$0x2];
	[bflag:$0x3] =	sbarrier.arrive $0xFFFF;
	s2 =	simm.s32 @!p0 $0x1C01  }
0xea: {  	[timem:s3], [sflag:s2] =	dma.local @!p0 [hbm:s0], s1  }
0xeb: {  	s0 =	simm.s32 @!p0 $0x1  }
0xec: {  	_ =	swait.ge @!p0 [sflag:s0], s1  }
0xed: {  	s1 =	ssub.s32 @!p0 $0x0, s1;
	[sflag:s0] =	ssyncset.done @!p0 $0x0  }
0xee: {  	[sflag:s0] =	ssyncadd.s32 @!p0 s1  }
0xef: {  	[bflag:$0x3] =	sbarrier.arrive $0xFFFF  }
0xf0: {  	_ =	shalt  }

</sc_bundles>
